<compile_context>
chip_gen: v7x
topology: tpu7x:2x2x1
jax: 0.10.2.dev20260603
libtpu: 0.0.44.dev20260713+nightly
codegen_flags: <defaults>
</compile_context>

<pallas_src>
import functools

import jax
import jax.numpy as jnp
from jax import lax
from jax.experimental import pallas as pl
from jax.experimental.pallas import tpu as pltpu
from jax.experimental.pallas import tpu_sc as plsc

_LANES = 16
_GATHER_CHUNK = 128


@functools.cache
def _make_sc_kernel(batch: int, n_factors: int):
    info = plsc.get_sparse_core_info()
    num_workers = info.num_cores * info.num_subcores
    b_per_w = batch // num_workers
    assert b_per_w * num_workers == batch
    n_chunks = b_per_w // _GATHER_CHUNK
    n_blocks = b_per_w // _LANES

    mesh = plsc.VectorSubcoreMesh(core_axis_name="c", subcore_axis_name="s")

    @functools.partial(
        pl.kernel,
        mesh=mesh,
        out_type=jax.ShapeDtypeStruct((batch,), jnp.float32),
        scratch_types=[
            pltpu.VMEM((b_per_w,), jnp.int32),
            pltpu.VMEM((b_per_w,), jnp.int32),
            pltpu.VMEM((b_per_w, n_factors), jnp.float32),
            pltpu.VMEM((b_per_w, n_factors), jnp.float32),
            pltpu.VMEM((b_per_w,), jnp.float32),
            pltpu.VMEM((_LANES * _LANES,), jnp.float32),
            pltpu.SemaphoreType.DMA,
        ],
        compiler_params=pltpu.CompilerParams(
            needs_layout_passes=False, use_tc_tiling_on_sc=False),
    )
    def sc_kernel(user_hbm, item_hbm, uemb_hbm, iemb_hbm, out_hbm,
                  idx_u, idx_i, rows_u, rows_i, out_v, tbuf, sem):
        wid = lax.axis_index("s") * info.num_cores + lax.axis_index("c")
        base = wid * b_per_w

        pltpu.sync_copy(user_hbm.at[pl.ds(base, b_per_w)], idx_u)
        pltpu.sync_copy(item_hbm.at[pl.ds(base, b_per_w)], idx_i)

        copies = []
        for j in range(n_chunks):
            sl = pl.ds(j * _GATHER_CHUNK, _GATHER_CHUNK)
            copies.append(
                pltpu.async_copy(uemb_hbm.at[idx_u.at[sl]], rows_u.at[sl], sem))
            copies.append(
                pltpu.async_copy(iemb_hbm.at[idx_i.at[sl]], rows_i.at[sl], sem))
        for c in copies:
            c.wait()

        iota = lax.iota(jnp.int32, _LANES)

        def blk_body(blk, carry):
            for r in range(_LANES):
                row = blk * _LANES + r
                u0 = rows_u[row, pl.ds(0, _LANES)]
                u1 = rows_u[row, pl.ds(_LANES, _LANES)]
                v0 = rows_i[row, pl.ds(0, _LANES)]
                v1 = rows_i[row, pl.ds(_LANES, _LANES)]
                p = u0 * v0 + u1 * v1
                plsc.store_scatter(tbuf, [iota * _LANES + r], p)
            acc = tbuf[pl.ds(0, _LANES)]
            for l in range(1, _LANES):
                acc = acc + tbuf[pl.ds(l * _LANES, _LANES)]
            out_v[pl.ds(blk * _LANES, _LANES)] = acc
            return carry

        lax.fori_loop(0, n_blocks, blk_body, 0)
        pltpu.sync_copy(out_v, out_hbm.at[pl.ds(base, b_per_w)])

    return sc_kernel


@jax.jit
def kernel(user, item, user_emb, item_emb):
    sc = _make_sc_kernel(user.shape[0], user_emb.shape[1])
    return sc(user.astype(jnp.int32), item.astype(jnp.int32),
              user_emb, item_emb)

# --- scband reference (transcript-rebuilt; emitter-appended) ---
"""Pipeline reference for scband-matrix-factorization-66391604462361 (READ-ONLY COPY).

The authoritative reference and input builder live on the scoring server;
editing this copy changes nothing except your own understanding.
"""

import jax, jax.numpy as jnp
import numpy as np

N_USERS = 1000000
N_ITEMS = 1000000
N_FACTORS = 32
BATCH = 16384


def setup_inputs(seed: int = 0) -> dict:
    key = jax.random.key(seed)
    k_user, k_item, k_ue, k_ie = jax.random.split(key, 4)
    user = jax.random.randint(k_user, (BATCH,), 0, N_USERS, dtype=jnp.int64 if jax.config.jax_enable_x64 else jnp.int32)
    item = jax.random.randint(k_item, (BATCH,), 0, N_ITEMS, dtype=jnp.int64 if jax.config.jax_enable_x64 else jnp.int32)
    # Embedding tables initialized uniform(0, 0.05) as in the torch module
    user_emb = jax.random.uniform(k_ue, (N_USERS, N_FACTORS), dtype=jnp.float32, minval=0.0, maxval=0.05)
    item_emb = jax.random.uniform(k_ie, (N_ITEMS, N_FACTORS), dtype=jnp.float32, minval=0.0, maxval=0.05)
    return {"user": user, "item": item, "user_emb": user_emb, "item_emb": item_emb}


def reference(user, item, user_emb, item_emb):
    u = jnp.take(user_emb, user, axis=0)
    v = jnp.take(item_emb, item, axis=0)
    return (u * v).sum(axis=1)

if __name__ == "__main__":
    import jax
    _d = setup_inputs()
    print(jax.jit(kernel)(*tuple(_d.values())))

</pallas_src>

<mosaic_0001>
#map = affine_map<(d0, d1) -> (0)>
#map1 = affine_map<(d0, d1) -> (0, 0)>
module attributes {stable_mosaic.version = 14 : i64} {
  func.func @sc_kernel(%arg0: i32, %arg1: i32, %arg2: memref<16384xi32, #tpu.memory_space<hbm>>, %arg3: memref<16384xi32, #tpu.memory_space<hbm>>, %arg4: memref<1000000x32xf32, #tpu.memory_space<hbm>>, %arg5: memref<1000000x32xf32, #tpu.memory_space<hbm>>, %arg6: memref<16384xf32, #tpu.memory_space<hbm>>, %arg7: memref<512xi32, #tpu.memory_space<vmem>>, %arg8: memref<512xi32, #tpu.memory_space<vmem>>, %arg9: memref<512x32xf32, #tpu.memory_space<vmem>>, %arg10: memref<512x32xf32, #tpu.memory_space<vmem>>, %arg11: memref<512xf32, #tpu.memory_space<vmem>>, %arg12: memref<256xf32, #tpu.memory_space<vmem>>, %arg13: memref<!tpu.dma_semaphore, #tpu.memory_space<semaphore_mem>>) attributes {dimension_semantics = [#tpu.dimension_semantics<core_parallel>, #tpu.dimension_semantics<subcore_parallel>], iteration_bounds = array<i64: 2, 16>, scalar_prefetch = 0 : i64, scratch_operands = 7 : i64, tpu.core_type = #tpu.core_type<sc_vector_subcore>, window_params = [{transform_indices = #map}, {transform_indices = #map}, {transform_indices = #map1}, {transform_indices = #map1}, {transform_indices = #map}]} {
    %mul3A = arith.constant 2 : i32
    %mul3A_0 = arith.muli %arg1, %mul3A : i32
    %add3A = arith.addi %mul3A_0, %arg0 : i32
    %mul3A_1 = arith.constant 512 : i32
    %mul3A_2 = arith.muli %add3A, %mul3A_1 : i32
    "tpu.region"() ({
      %run_scoped3A = tpu.sem_alloc : memref<!tpu.dma_semaphore, #tpu.memory_space<semaphore_mem>>
      %dma_start3A_134 = tpu.memref_slice %arg2[%mul3A_2] : memref<16384xi32, #tpu.memory_space<hbm>> -> memref<512xi32, #tpu.memory_space<hbm>>
      %dma_start3A_135 = tpu.memref_slice %arg2[%mul3A_2] : memref<16384xi32, #tpu.memory_space<hbm>> -> memref<512xi32, #tpu.memory_space<hbm>>
      tpu.enqueue_dma source(%dma_start3A_135 : memref<512xi32, #tpu.memory_space<hbm>>) target(%arg7 : memref<512xi32, #tpu.memory_space<vmem>>) target_semaphore(%run_scoped3A : memref<!tpu.dma_semaphore, #tpu.memory_space<semaphore_mem>>)
      %dma_wait3A_136 = tpu.memref_slice %arg2[%mul3A_2] : memref<16384xi32, #tpu.memory_space<hbm>> -> memref<512xi32, #tpu.memory_space<hbm>>
      %dma_wait3A_137 = tpu.memref_slice %arg2[%mul3A_2] : memref<16384xi32, #tpu.memory_space<hbm>> -> memref<512xi32, #tpu.memory_space<hbm>>
      tpu.wait_dma2 semaphore(%run_scoped3A : memref<!tpu.dma_semaphore, #tpu.memory_space<semaphore_mem>>) src(%dma_wait3A_137 : memref<512xi32, #tpu.memory_space<hbm>>) dst(%arg7 : memref<512xi32, #tpu.memory_space<vmem>>)
      tpu.yield
    }) : () -> ()
    "tpu.region"() ({
      %run_scoped3A = tpu.sem_alloc : memref<!tpu.dma_semaphore, #tpu.memory_space<semaphore_mem>>
      %dma_start3A_134 = tpu.memref_slice %arg3[%mul3A_2] : memref<16384xi32, #tpu.memory_space<hbm>> -> memref<512xi32, #tpu.memory_space<hbm>>
      %dma_start3A_135 = tpu.memref_slice %arg3[%mul3A_2] : memref<16384xi32, #tpu.memory_space<hbm>> -> memref<512xi32, #tpu.memory_space<hbm>>
      tpu.enqueue_dma source(%dma_start3A_135 : memref<512xi32, #tpu.memory_space<hbm>>) target(%arg8 : memref<512xi32, #tpu.memory_space<vmem>>) target_semaphore(%run_scoped3A : memref<!tpu.dma_semaphore, #tpu.memory_space<semaphore_mem>>)
      %dma_wait3A_136 = tpu.memref_slice %arg3[%mul3A_2] : memref<16384xi32, #tpu.memory_space<hbm>> -> memref<512xi32, #tpu.memory_space<hbm>>
      %dma_wait3A_137 = tpu.memref_slice %arg3[%mul3A_2] : memref<16384xi32, #tpu.memory_space<hbm>> -> memref<512xi32, #tpu.memory_space<hbm>>
      tpu.wait_dma2 semaphore(%run_scoped3A : memref<!tpu.dma_semaphore, #tpu.memory_space<semaphore_mem>>) src(%dma_wait3A_137 : memref<512xi32, #tpu.memory_space<hbm>>) dst(%arg8 : memref<512xi32, #tpu.memory_space<vmem>>)
      tpu.yield
    }) : () -> ()
    %dma_start3A = arith.constant 0 : i32
    %dma_start3A_3 = arith.constant 0 : i32
    %dma_start3A_4 = tpu.memref_slice %arg9[%dma_start3A, %dma_start3A_3] : memref<512x32xf32, #tpu.memory_space<vmem>> -> memref<128x32xf32, #tpu.memory_space<vmem>>
    %dma_start3A_5 = arith.constant 0 : i32
    %dma_start3A_6 = tpu.memref_slice %arg7[%dma_start3A_5] : memref<512xi32, #tpu.memory_space<vmem>> -> memref<128xi32, #tpu.memory_space<vmem>>
    %dma_start3A_7 = arith.constant 0 : i32
    %dma_start3A_8 = arith.constant 0 : i32
    %dma_start3A_9 = tpu.memref_slice %arg4[%dma_start3A_7, %dma_start3A_8] : memref<1000000x32xf32, #tpu.memory_space<hbm>> -> memref<1000000x32xf32, #tpu.memory_space<hbm>>
    tpu.enqueue_indirect_dma source(%dma_start3A_9 : memref<1000000x32xf32, #tpu.memory_space<hbm>>) target(%dma_start3A_4 : memref<128x32xf32, #tpu.memory_space<vmem>>) offsets(%dma_start3A_6 : memref<128xi32, #tpu.memory_space<vmem>>) semaphore(%arg13 : memref<!tpu.dma_semaphore, #tpu.memory_space<semaphore_mem>>)
    %dma_start3A_10 = arith.constant 0 : i32
    %dma_start3A_11 = arith.constant 0 : i32
    %dma_start3A_12 = tpu.memref_slice %arg10[%dma_start3A_10, %dma_start3A_11] : memref<512x32xf32, #tpu.memory_space<vmem>> -> memref<128x32xf32, #tpu.memory_space<vmem>>
    %dma_start3A_13 = arith.constant 0 : i32
    %dma_start3A_14 = tpu.memref_slice %arg8[%dma_start3A_13] : memref<512xi32, #tpu.memory_space<vmem>> -> memref<128xi32, #tpu.memory_space<vmem>>
    %dma_start3A_15 = arith.constant 0 : i32
    %dma_start3A_16 = arith.constant 0 : i32
    %dma_start3A_17 = tpu.memref_slice %arg5[%dma_start3A_15, %dma_start3A_16] : memref<1000000x32xf32, #tpu.memory_space<hbm>> -> memref<1000000x32xf32, #tpu.memory_space<hbm>>
    tpu.enqueue_indirect_dma source(%dma_start3A_17 : memref<1000000x32xf32, #tpu.memory_space<hbm>>) target(%dma_start3A_12 : memref<128x32xf32, #tpu.memory_space<vmem>>) offsets(%dma_start3A_14 : memref<128xi32, #tpu.memory_space<vmem>>) semaphore(%arg13 : memref<!tpu.dma_semaphore, #tpu.memory_space<semaphore_mem>>)
    %dma_start3A_18 = arith.constant 128 : i32
    %dma_start3A_19 = arith.constant 0 : i32
    %dma_start3A_20 = tpu.memref_slice %arg9[%dma_start3A_18, %dma_start3A_19] : memref<512x32xf32, #tpu.memory_space<vmem>> -> memref<128x32xf32, #tpu.memory_space<vmem>>
    %dma_start3A_21 = arith.constant 128 : i32
    %dma_start3A_22 = tpu.memref_slice %arg7[%dma_start3A_21] : memref<512xi32, #tpu.memory_space<vmem>> -> memref<128xi32, #tpu.memory_space<vmem>>
    %dma_start3A_23 = arith.constant 0 : i32
    %dma_start3A_24 = arith.constant 0 : i32
    %dma_start3A_25 = tpu.memref_slice %arg4[%dma_start3A_23, %dma_start3A_24] : memref<1000000x32xf32, #tpu.memory_space<hbm>> -> memref<1000000x32xf32, #tpu.memory_space<hbm>>
    tpu.enqueue_indirect_dma source(%dma_start3A_25 : memref<1000000x32xf32, #tpu.memory_space<hbm>>) target(%dma_start3A_20 : memref<128x32xf32, #tpu.memory_space<vmem>>) offsets(%dma_start3A_22 : memref<128xi32, #tpu.memory_space<vmem>>) semaphore(%arg13 : memref<!tpu.dma_semaphore, #tpu.memory_space<semaphore_mem>>)
    %dma_start3A_26 = arith.constant 128 : i32
    %dma_start3A_27 = arith.constant 0 : i32
    %dma_start3A_28 = tpu.memref_slice %arg10[%dma_start3A_26, %dma_start3A_27] : memref<512x32xf32, #tpu.memory_space<vmem>> -> memref<128x32xf32, #tpu.memory_space<vmem>>
    %dma_start3A_29 = arith.constant 128 : i32
    %dma_start3A_30 = tpu.memref_slice %arg8[%dma_start3A_29] : memref<512xi32, #tpu.memory_space<vmem>> -> memref<128xi32, #tpu.memory_space<vmem>>
    %dma_start3A_31 = arith.constant 0 : i32
    %dma_start3A_32 = arith.constant 0 : i32
    %dma_start3A_33 = tpu.memref_slice %arg5[%dma_start3A_31, %dma_start3A_32] : memref<1000000x32xf32, #tpu.memory_space<hbm>> -> memref<1000000x32xf32, #tpu.memory_space<hbm>>
    tpu.enqueue_indirect_dma source(%dma_start3A_33 : memref<1000000x32xf32, #tpu.memory_space<hbm>>) target(%dma_start3A_28 : memref<128x32xf32, #tpu.memory_space<vmem>>) offsets(%dma_start3A_30 : memref<128xi32, #tpu.memory_space<vmem>>) semaphore(%arg13 : memref<!tpu.dma_semaphore, #tpu.memory_space<semaphore_mem>>)
    %dma_start3A_34 = arith.constant 256 : i32
    %dma_start3A_35 = arith.constant 0 : i32
    %dma_start3A_36 = tpu.memref_slice %arg9[%dma_start3A_34, %dma_start3A_35] : memref<512x32xf32, #tpu.memory_space<vmem>> -> memref<128x32xf32, #tpu.memory_space<vmem>>
    %dma_start3A_37 = arith.constant 256 : i32
    %dma_start3A_38 = tpu.memref_slice %arg7[%dma_start3A_37] : memref<512xi32, #tpu.memory_space<vmem>> -> memref<128xi32, #tpu.memory_space<vmem>>
    %dma_start3A_39 = arith.constant 0 : i32
    %dma_start3A_40 = arith.constant 0 : i32
    %dma_start3A_41 = tpu.memref_slice %arg4[%dma_start3A_39, %dma_start3A_40] : memref<1000000x32xf32, #tpu.memory_space<hbm>> -> memref<1000000x32xf32, #tpu.memory_space<hbm>>
    tpu.enqueue_indirect_dma source(%dma_start3A_41 : memref<1000000x32xf32, #tpu.memory_space<hbm>>) target(%dma_start3A_36 : memref<128x32xf32, #tpu.memory_space<vmem>>) offsets(%dma_start3A_38 : memref<128xi32, #tpu.memory_space<vmem>>) semaphore(%arg13 : memref<!tpu.dma_semaphore, #tpu.memory_space<semaphore_mem>>)
    %dma_start3A_42 = arith.constant 256 : i32
    %dma_start3A_43 = arith.constant 0 : i32
    %dma_start3A_44 = tpu.memref_slice %arg10[%dma_start3A_42, %dma_start3A_43] : memref<512x32xf32, #tpu.memory_space<vmem>> -> memref<128x32xf32, #tpu.memory_space<vmem>>
    %dma_start3A_45 = arith.constant 256 : i32
    %dma_start3A_46 = tpu.memref_slice %arg8[%dma_start3A_45] : memref<512xi32, #tpu.memory_space<vmem>> -> memref<128xi32, #tpu.memory_space<vmem>>
    %dma_start3A_47 = arith.constant 0 : i32
    %dma_start3A_48 = arith.constant 0 : i32
    %dma_start3A_49 = tpu.memref_slice %arg5[%dma_start3A_47, %dma_start3A_48] : memref<1000000x32xf32, #tpu.memory_space<hbm>> -> memref<1000000x32xf32, #tpu.memory_space<hbm>>
    tpu.enqueue_indirect_dma source(%dma_start3A_49 : memref<1000000x32xf32, #tpu.memory_space<hbm>>) target(%dma_start3A_44 : memref<128x32xf32, #tpu.memory_space<vmem>>) offsets(%dma_start3A_46 : memref<128xi32, #tpu.memory_space<vmem>>) semaphore(%arg13 : memref<!tpu.dma_semaphore, #tpu.memory_space<semaphore_mem>>)
    %dma_start3A_50 = arith.constant 384 : i32
    %dma_start3A_51 = arith.constant 0 : i32
    %dma_start3A_52 = tpu.memref_slice %arg9[%dma_start3A_50, %dma_start3A_51] : memref<512x32xf32, #tpu.memory_space<vmem>> -> memref<128x32xf32, #tpu.memory_space<vmem>>
    %dma_start3A_53 = arith.constant 384 : i32
    %dma_start3A_54 = tpu.memref_slice %arg7[%dma_start3A_53] : memref<512xi32, #tpu.memory_space<vmem>> -> memref<128xi32, #tpu.memory_space<vmem>>
    %dma_start3A_55 = arith.constant 0 : i32
    %dma_start3A_56 = arith.constant 0 : i32
    %dma_start3A_57 = tpu.memref_slice %arg4[%dma_start3A_55, %dma_start3A_56] : memref<1000000x32xf32, #tpu.memory_space<hbm>> -> memref<1000000x32xf32, #tpu.memory_space<hbm>>
    tpu.enqueue_indirect_dma source(%dma_start3A_57 : memref<1000000x32xf32, #tpu.memory_space<hbm>>) target(%dma_start3A_52 : memref<128x32xf32, #tpu.memory_space<vmem>>) offsets(%dma_start3A_54 : memref<128xi32, #tpu.memory_space<vmem>>) semaphore(%arg13 : memref<!tpu.dma_semaphore, #tpu.memory_space<semaphore_mem>>)
    %dma_start3A_58 = arith.constant 384 : i32
    %dma_start3A_59 = arith.constant 0 : i32
    %dma_start3A_60 = tpu.memref_slice %arg10[%dma_start3A_58, %dma_start3A_59] : memref<512x32xf32, #tpu.memory_space<vmem>> -> memref<128x32xf32, #tpu.memory_space<vmem>>
    %dma_start3A_61 = arith.constant 384 : i32
    %dma_start3A_62 = tpu.memref_slice %arg8[%dma_start3A_61] : memref<512xi32, #tpu.memory_space<vmem>> -> memref<128xi32, #tpu.memory_space<vmem>>
    %dma_start3A_63 = arith.constant 0 : i32
    %dma_start3A_64 = arith.constant 0 : i32
    %dma_start3A_65 = tpu.memref_slice %arg5[%dma_start3A_63, %dma_start3A_64] : memref<1000000x32xf32, #tpu.memory_space<hbm>> -> memref<1000000x32xf32, #tpu.memory_space<hbm>>
    tpu.enqueue_indirect_dma source(%dma_start3A_65 : memref<1000000x32xf32, #tpu.memory_space<hbm>>) target(%dma_start3A_60 : memref<128x32xf32, #tpu.memory_space<vmem>>) offsets(%dma_start3A_62 : memref<128xi32, #tpu.memory_space<vmem>>) semaphore(%arg13 : memref<!tpu.dma_semaphore, #tpu.memory_space<semaphore_mem>>)
    %dma_wait3A = arith.constant 0 : i32
    %dma_wait3A_66 = arith.constant 0 : i32
    %dma_wait3A_67 = tpu.memref_slice %arg9[%dma_wait3A, %dma_wait3A_66] : memref<512x32xf32, #tpu.memory_space<vmem>> -> memref<128x32xf32, #tpu.memory_space<vmem>>
    %dma_wait3A_68 = arith.constant 0 : i32
    %dma_wait3A_69 = tpu.memref_slice %arg7[%dma_wait3A_68] : memref<512xi32, #tpu.memory_space<vmem>> -> memref<128xi32, #tpu.memory_space<vmem>>
    %dma_wait3A_70 = arith.constant 0 : i32
    %dma_wait3A_71 = arith.constant 0 : i32
    %dma_wait3A_72 = tpu.memref_slice %arg4[%dma_wait3A_70, %dma_wait3A_71] : memref<1000000x32xf32, #tpu.memory_space<hbm>> -> memref<1000000x32xf32, #tpu.memory_space<hbm>>
    tpu.wait_indirect_dma semaphore(%arg13 : memref<!tpu.dma_semaphore, #tpu.memory_space<semaphore_mem>>) src(%dma_wait3A_72 : memref<1000000x32xf32, #tpu.memory_space<hbm>>) dst(%dma_wait3A_67 : memref<128x32xf32, #tpu.memory_space<vmem>>)
    %dma_wait3A_73 = arith.constant 0 : i32
    %dma_wait3A_74 = arith.constant 0 : i32
    %dma_wait3A_75 = tpu.memref_slice %arg10[%dma_wait3A_73, %dma_wait3A_74] : memref<512x32xf32, #tpu.memory_space<vmem>> -> memref<128x32xf32, #tpu.memory_space<vmem>>
    %dma_wait3A_76 = arith.constant 0 : i32
    %dma_wait3A_77 = tpu.memref_slice %arg8[%dma_wait3A_76] : memref<512xi32, #tpu.memory_space<vmem>> -> memref<128xi32, #tpu.memory_space<vmem>>
    %dma_wait3A_78 = arith.constant 0 : i32
    %dma_wait3A_79 = arith.constant 0 : i32
    %dma_wait3A_80 = tpu.memref_slice %arg5[%dma_wait3A_78, %dma_wait3A_79] : memref<1000000x32xf32, #tpu.memory_space<hbm>> -> memref<1000000x32xf32, #tpu.memory_space<hbm>>
    tpu.wait_indirect_dma semaphore(%arg13 : memref<!tpu.dma_semaphore, #tpu.memory_space<semaphore_mem>>) src(%dma_wait3A_80 : memref<1000000x32xf32, #tpu.memory_space<hbm>>) dst(%dma_wait3A_75 : memref<128x32xf32, #tpu.memory_space<vmem>>)
    %dma_wait3A_81 = arith.constant 128 : i32
    %dma_wait3A_82 = arith.constant 0 : i32
    %dma_wait3A_83 = tpu.memref_slice %arg9[%dma_wait3A_81, %dma_wait3A_82] : memref<512x32xf32, #tpu.memory_space<vmem>> -> memref<128x32xf32, #tpu.memory_space<vmem>>
    %dma_wait3A_84 = arith.constant 128 : i32
    %dma_wait3A_85 = tpu.memref_slice %arg7[%dma_wait3A_84] : memref<512xi32, #tpu.memory_space<vmem>> -> memref<128xi32, #tpu.memory_space<vmem>>
    %dma_wait3A_86 = arith.constant 0 : i32
    %dma_wait3A_87 = arith.constant 0 : i32
    %dma_wait3A_88 = tpu.memref_slice %arg4[%dma_wait3A_86, %dma_wait3A_87] : memref<1000000x32xf32, #tpu.memory_space<hbm>> -> memref<1000000x32xf32, #tpu.memory_space<hbm>>
    tpu.wait_indirect_dma semaphore(%arg13 : memref<!tpu.dma_semaphore, #tpu.memory_space<semaphore_mem>>) src(%dma_wait3A_88 : memref<1000000x32xf32, #tpu.memory_space<hbm>>) dst(%dma_wait3A_83 : memref<128x32xf32, #tpu.memory_space<vmem>>)
    %dma_wait3A_89 = arith.constant 128 : i32
    %dma_wait3A_90 = arith.constant 0 : i32
    %dma_wait3A_91 = tpu.memref_slice %arg10[%dma_wait3A_89, %dma_wait3A_90] : memref<512x32xf32, #tpu.memory_space<vmem>> -> memref<128x32xf32, #tpu.memory_space<vmem>>
    %dma_wait3A_92 = arith.constant 128 : i32
    %dma_wait3A_93 = tpu.memref_slice %arg8[%dma_wait3A_92] : memref<512xi32, #tpu.memory_space<vmem>> -> memref<128xi32, #tpu.memory_space<vmem>>
    %dma_wait3A_94 = arith.constant 0 : i32
    %dma_wait3A_95 = arith.constant 0 : i32
    %dma_wait3A_96 = tpu.memref_slice %arg5[%dma_wait3A_94, %dma_wait3A_95] : memref<1000000x32xf32, #tpu.memory_space<hbm>> -> memref<1000000x32xf32, #tpu.memory_space<hbm>>
    tpu.wait_indirect_dma semaphore(%arg13 : memref<!tpu.dma_semaphore, #tpu.memory_space<semaphore_mem>>) src(%dma_wait3A_96 : memref<1000000x32xf32, #tpu.memory_space<hbm>>) dst(%dma_wait3A_91 : memref<128x32xf32, #tpu.memory_space<vmem>>)
    %dma_wait3A_97 = arith.constant 256 : i32
    %dma_wait3A_98 = arith.constant 0 : i32
    %dma_wait3A_99 = tpu.memref_slice %arg9[%dma_wait3A_97, %dma_wait3A_98] : memref<512x32xf32, #tpu.memory_space<vmem>> -> memref<128x32xf32, #tpu.memory_space<vmem>>
    %dma_wait3A_100 = arith.constant 256 : i32
    %dma_wait3A_101 = tpu.memref_slice %arg7[%dma_wait3A_100] : memref<512xi32, #tpu.memory_space<vmem>> -> memref<128xi32, #tpu.memory_space<vmem>>
    %dma_wait3A_102 = arith.constant 0 : i32
    %dma_wait3A_103 = arith.constant 0 : i32
    %dma_wait3A_104 = tpu.memref_slice %arg4[%dma_wait3A_102, %dma_wait3A_103] : memref<1000000x32xf32, #tpu.memory_space<hbm>> -> memref<1000000x32xf32, #tpu.memory_space<hbm>>
    tpu.wait_indirect_dma semaphore(%arg13 : memref<!tpu.dma_semaphore, #tpu.memory_space<semaphore_mem>>) src(%dma_wait3A_104 : memref<1000000x32xf32, #tpu.memory_space<hbm>>) dst(%dma_wait3A_99 : memref<128x32xf32, #tpu.memory_space<vmem>>)
    %dma_wait3A_105 = arith.constant 256 : i32
    %dma_wait3A_106 = arith.constant 0 : i32
    %dma_wait3A_107 = tpu.memref_slice %arg10[%dma_wait3A_105, %dma_wait3A_106] : memref<512x32xf32, #tpu.memory_space<vmem>> -> memref<128x32xf32, #tpu.memory_space<vmem>>
    %dma_wait3A_108 = arith.constant 256 : i32
    %dma_wait3A_109 = tpu.memref_slice %arg8[%dma_wait3A_108] : memref<512xi32, #tpu.memory_space<vmem>> -> memref<128xi32, #tpu.memory_space<vmem>>
    %dma_wait3A_110 = arith.constant 0 : i32
    %dma_wait3A_111 = arith.constant 0 : i32
    %dma_wait3A_112 = tpu.memref_slice %arg5[%dma_wait3A_110, %dma_wait3A_111] : memref<1000000x32xf32, #tpu.memory_space<hbm>> -> memref<1000000x32xf32, #tpu.memory_space<hbm>>
    tpu.wait_indirect_dma semaphore(%arg13 : memref<!tpu.dma_semaphore, #tpu.memory_space<semaphore_mem>>) src(%dma_wait3A_112 : memref<1000000x32xf32, #tpu.memory_space<hbm>>) dst(%dma_wait3A_107 : memref<128x32xf32, #tpu.memory_space<vmem>>)
    %dma_wait3A_113 = arith.constant 384 : i32
    %dma_wait3A_114 = arith.constant 0 : i32
    %dma_wait3A_115 = tpu.memref_slice %arg9[%dma_wait3A_113, %dma_wait3A_114] : memref<512x32xf32, #tpu.memory_space<vmem>> -> memref<128x32xf32, #tpu.memory_space<vmem>>
    %dma_wait3A_116 = arith.constant 384 : i32
    %dma_wait3A_117 = tpu.memref_slice %arg7[%dma_wait3A_116] : memref<512xi32, #tpu.memory_space<vmem>> -> memref<128xi32, #tpu.memory_space<vmem>>
    %dma_wait3A_118 = arith.constant 0 : i32
    %dma_wait3A_119 = arith.constant 0 : i32
    %dma_wait3A_120 = tpu.memref_slice %arg4[%dma_wait3A_118, %dma_wait3A_119] : memref<1000000x32xf32, #tpu.memory_space<hbm>> -> memref<1000000x32xf32, #tpu.memory_space<hbm>>
    tpu.wait_indirect_dma semaphore(%arg13 : memref<!tpu.dma_semaphore, #tpu.memory_space<semaphore_mem>>) src(%dma_wait3A_120 : memref<1000000x32xf32, #tpu.memory_space<hbm>>) dst(%dma_wait3A_115 : memref<128x32xf32, #tpu.memory_space<vmem>>)
    %dma_wait3A_121 = arith.constant 384 : i32
    %dma_wait3A_122 = arith.constant 0 : i32
    %dma_wait3A_123 = tpu.memref_slice %arg10[%dma_wait3A_121, %dma_wait3A_122] : memref<512x32xf32, #tpu.memory_space<vmem>> -> memref<128x32xf32, #tpu.memory_space<vmem>>
    %dma_wait3A_124 = arith.constant 384 : i32
    %dma_wait3A_125 = tpu.memref_slice %arg8[%dma_wait3A_124] : memref<512xi32, #tpu.memory_space<vmem>> -> memref<128xi32, #tpu.memory_space<vmem>>
    %dma_wait3A_126 = arith.constant 0 : i32
    %dma_wait3A_127 = arith.constant 0 : i32
    %dma_wait3A_128 = tpu.memref_slice %arg5[%dma_wait3A_126, %dma_wait3A_127] : memref<1000000x32xf32, #tpu.memory_space<hbm>> -> memref<1000000x32xf32, #tpu.memory_space<hbm>>
    tpu.wait_indirect_dma semaphore(%arg13 : memref<!tpu.dma_semaphore, #tpu.memory_space<semaphore_mem>>) src(%dma_wait3A_128 : memref<1000000x32xf32, #tpu.memory_space<hbm>>) dst(%dma_wait3A_123 : memref<128x32xf32, #tpu.memory_space<vmem>>)
    %iota3A = tpu.iota {dimensions = array<i32: 0>} : vector<16xi32>
    %scan3A = arith.constant 0 : i32
    %scan3A_129 = arith.constant 0 : i32
    %scan3A_130 = arith.constant 32 : i32
    %scan3A_131 = arith.addi %scan3A_129, %scan3A_130 : i32
    %scan3A_132 = arith.constant 1 : i32
    scf.for %scan3A_134 = %scan3A_129 to %scan3A_131 step %scan3A_132  : i32 {
      %mul3A_135 = arith.constant 16 : i32
      %mul3A_136 = arith.muli %scan3A_134, %mul3A_135 : i32
      %add3A_137 = arith.constant 0 : i32
      %add3A_138 = arith.addi %mul3A_136, %add3A_137 : i32
      %get3A = arith.index_cast %add3A_138 : i32 to index
      %get3A_139 = arith.constant 0 : index
      %get3A_140 = tpu.vector_load %arg9[%get3A, %get3A_139] {strides = array<i32>} : memref<512x32xf32, #tpu.memory_space<vmem>>, vector<16xf32>,
      %get3A_141 = arith.index_cast %add3A_138 : i32 to index
      %get3A_142 = arith.constant 16 : index
      %get3A_143 = tpu.vector_load %arg9[%get3A_141, %get3A_142] {strides = array<i32>} : memref<512x32xf32, #tpu.memory_space<vmem>>, vector<16xf32>,
      %get3A_144 = arith.index_cast %add3A_138 : i32 to index
      %get3A_145 = arith.constant 0 : index
      %get3A_146 = tpu.vector_load %arg10[%get3A_144, %get3A_145] {strides = array<i32>} : memref<512x32xf32, #tpu.memory_space<vmem>>, vector<16xf32>,
      %get3A_147 = arith.index_cast %add3A_138 : i32 to index
      %get3A_148 = arith.constant 16 : index
      %get3A_149 = tpu.vector_load %arg10[%get3A_147, %get3A_148] {strides = array<i32>} : memref<512x32xf32, #tpu.memory_space<vmem>>, vector<16xf32>,
      %mul3A_150 = arith.mulf %get3A_140, %get3A_146 : vector<16xf32>
      %mul3A_151 = arith.mulf %get3A_143, %get3A_149 : vector<16xf32>
      %add3A_152 = arith.addf %mul3A_150, %mul3A_151 : vector<16xf32>
      %mul3A_153 = arith.constant 16 : i32
      %mul3A_154 = vector.broadcast %mul3A_153 : i32 to vector<16xi32>
      %mul3A_155 = arith.muli %iota3A, %mul3A_154 : vector<16xi32>
      %add3A_156 = arith.constant 0 : i32
      %add3A_157 = vector.broadcast %add3A_156 : i32 to vector<16xi32>
      %add3A_158 = arith.addi %mul3A_155, %add3A_157 : vector<16xi32>
      tpu.vector_store_idx %arg12[%add3A_158], %add3A_152 : memref<256xf32, #tpu.memory_space<vmem>>[vector<16xi32>], vector<16xf32>,
      %mul3A_159 = arith.constant 16 : i32
      %mul3A_160 = arith.muli %scan3A_134, %mul3A_159 : i32
      %add3A_161 = arith.constant 1 : i32
      %add3A_162 = arith.addi %mul3A_160, %add3A_161 : i32
      %get3A_163 = arith.index_cast %add3A_162 : i32 to index
      %get3A_164 = arith.constant 0 : index
      %get3A_165 = tpu.vector_load %arg9[%get3A_163, %get3A_164] {strides = array<i32>} : memref<512x32xf32, #tpu.memory_space<vmem>>, vector<16xf32>,
      %get3A_166 = arith.index_cast %add3A_162 : i32 to index
      %get3A_167 = arith.constant 16 : index
      %get3A_168 = tpu.vector_load %arg9[%get3A_166, %get3A_167] {strides = array<i32>} : memref<512x32xf32, #tpu.memory_space<vmem>>, vector<16xf32>,
      %get3A_169 = arith.index_cast %add3A_162 : i32 to index
      %get3A_170 = arith.constant 0 : index
      %get3A_171 = tpu.vector_load %arg10[%get3A_169, %get3A_170] {strides = array<i32>} : memref<512x32xf32, #tpu.memory_space<vmem>>, vector<16xf32>,
      %get3A_172 = arith.index_cast %add3A_162 : i32 to index
      %get3A_173 = arith.constant 16 : index
      %get3A_174 = tpu.vector_load %arg10[%get3A_172, %get3A_173] {strides = array<i32>} : memref<512x32xf32, #tpu.memory_space<vmem>>, vector<16xf32>,
      %mul3A_175 = arith.mulf %get3A_165, %get3A_171 : vector<16xf32>
      %mul3A_176 = arith.mulf %get3A_168, %get3A_174 : vector<16xf32>
      %add3A_177 = arith.addf %mul3A_175, %mul3A_176 : vector<16xf32>
      %mul3A_178 = arith.constant 16 : i32
      %mul3A_179 = vector.broadcast %mul3A_178 : i32 to vector<16xi32>
      %mul3A_180 = arith.muli %iota3A, %mul3A_179 : vector<16xi32>
      %add3A_181 = arith.constant 1 : i32
      %add3A_182 = vector.broadcast %add3A_181 : i32 to vector<16xi32>
      %add3A_183 = arith.addi %mul3A_180, %add3A_182 : vector<16xi32>
      tpu.vector_store_idx %arg12[%add3A_183], %add3A_177 : memref<256xf32, #tpu.memory_space<vmem>>[vector<16xi32>], vector<16xf32>,
      %mul3A_184 = arith.constant 16 : i32
      %mul3A_185 = arith.muli %scan3A_134, %mul3A_184 : i32
      %add3A_186 = arith.constant 2 : i32
      %add3A_187 = arith.addi %mul3A_185, %add3A_186 : i32
      %get3A_188 = arith.index_cast %add3A_187 : i32 to index
      %get3A_189 = arith.constant 0 : index
      %get3A_190 = tpu.vector_load %arg9[%get3A_188, %get3A_189] {strides = array<i32>} : memref<512x32xf32, #tpu.memory_space<vmem>>, vector<16xf32>,
      %get3A_191 = arith.index_cast %add3A_187 : i32 to index
      %get3A_192 = arith.constant 16 : index
      %get3A_193 = tpu.vector_load %arg9[%get3A_191, %get3A_192] {strides = array<i32>} : memref<512x32xf32, #tpu.memory_space<vmem>>, vector<16xf32>,
      %get3A_194 = arith.index_cast %add3A_187 : i32 to index
      %get3A_195 = arith.constant 0 : index
      %get3A_196 = tpu.vector_load %arg10[%get3A_194, %get3A_195] {strides = array<i32>} : memref<512x32xf32, #tpu.memory_space<vmem>>, vector<16xf32>,
      %get3A_197 = arith.index_cast %add3A_187 : i32 to index
      %get3A_198 = arith.constant 16 : index
      %get3A_199 = tpu.vector_load %arg10[%get3A_197, %get3A_198] {strides = array<i32>} : memref<512x32xf32, #tpu.memory_space<vmem>>, vector<16xf32>,
      %mul3A_200 = arith.mulf %get3A_190, %get3A_196 : vector<16xf32>
      %mul3A_201 = arith.mulf %get3A_193, %get3A_199 : vector<16xf32>
      %add3A_202 = arith.addf %mul3A_200, %mul3A_201 : vector<16xf32>
      %mul3A_203 = arith.constant 16 : i32
      %mul3A_204 = vector.broadcast %mul3A_203 : i32 to vector<16xi32>
      %mul3A_205 = arith.muli %iota3A, %mul3A_204 : vector<16xi32>
      %add3A_206 = arith.constant 2 : i32
      %add3A_207 = vector.broadcast %add3A_206 : i32 to vector<16xi32>
      %add3A_208 = arith.addi %mul3A_205, %add3A_207 : vector<16xi32>
      tpu.vector_store_idx %arg12[%add3A_208], %add3A_202 : memref<256xf32, #tpu.memory_space<vmem>>[vector<16xi32>], vector<16xf32>,
      %mul3A_209 = arith.constant 16 : i32
      %mul3A_210 = arith.muli %scan3A_134, %mul3A_209 : i32
      %add3A_211 = arith.constant 3 : i32
      %add3A_212 = arith.addi %mul3A_210, %add3A_211 : i32
      %get3A_213 = arith.index_cast %add3A_212 : i32 to index
      %get3A_214 = arith.constant 0 : index
      %get3A_215 = tpu.vector_load %arg9[%get3A_213, %get3A_214] {strides = array<i32>} : memref<512x32xf32, #tpu.memory_space<vmem>>, vector<16xf32>,
      %get3A_216 = arith.index_cast %add3A_212 : i32 to index
      %get3A_217 = arith.constant 16 : index
      %get3A_218 = tpu.vector_load %arg9[%get3A_216, %get3A_217] {strides = array<i32>} : memref<512x32xf32, #tpu.memory_space<vmem>>, vector<16xf32>,
      %get3A_219 = arith.index_cast %add3A_212 : i32 to index
      %get3A_220 = arith.constant 0 : index
      %get3A_221 = tpu.vector_load %arg10[%get3A_219, %get3A_220] {strides = array<i32>} : memref<512x32xf32, #tpu.memory_space<vmem>>, vector<16xf32>,
      %get3A_222 = arith.index_cast %add3A_212 : i32 to index
      %get3A_223 = arith.constant 16 : index
      %get3A_224 = tpu.vector_load %arg10[%get3A_222, %get3A_223] {strides = array<i32>} : memref<512x32xf32, #tpu.memory_space<vmem>>, vector<16xf32>,
      %mul3A_225 = arith.mulf %get3A_215, %get3A_221 : vector<16xf32>
      %mul3A_226 = arith.mulf %get3A_218, %get3A_224 : vector<16xf32>
      %add3A_227 = arith.addf %mul3A_225, %mul3A_226 : vector<16xf32>
      %mul3A_228 = arith.constant 16 : i32
      %mul3A_229 = vector.broadcast %mul3A_228 : i32 to vector<16xi32>
      %mul3A_230 = arith.muli %iota3A, %mul3A_229 : vector<16xi32>
      %add3A_231 = arith.constant 3 : i32
      %add3A_232 = vector.broadcast %add3A_231 : i32 to vector<16xi32>
      %add3A_233 = arith.addi %mul3A_230, %add3A_232 : vector<16xi32>
      tpu.vector_store_idx %arg12[%add3A_233], %add3A_227 : memref<256xf32, #tpu.memory_space<vmem>>[vector<16xi32>], vector<16xf32>,
      %mul3A_234 = arith.constant 16 : i32
      %mul3A_235 = arith.muli %scan3A_134, %mul3A_234 : i32
      %add3A_236 = arith.constant 4 : i32
      %add3A_237 = arith.addi %mul3A_235, %add3A_236 : i32
      %get3A_238 = arith.index_cast %add3A_237 : i32 to index
      %get3A_239 = arith.constant 0 : index
      %get3A_240 = tpu.vector_load %arg9[%get3A_238, %get3A_239] {strides = array<i32>} : memref<512x32xf32, #tpu.memory_space<vmem>>, vector<16xf32>,
      %get3A_241 = arith.index_cast %add3A_237 : i32 to index
      %get3A_242 = arith.constant 16 : index
      %get3A_243 = tpu.vector_load %arg9[%get3A_241, %get3A_242] {strides = array<i32>} : memref<512x32xf32, #tpu.memory_space<vmem>>, vector<16xf32>,
      %get3A_244 = arith.index_cast %add3A_237 : i32 to index
      %get3A_245 = arith.constant 0 : index
      %get3A_246 = tpu.vector_load %arg10[%get3A_244, %get3A_245] {strides = array<i32>} : memref<512x32xf32, #tpu.memory_space<vmem>>, vector<16xf32>,
      %get3A_247 = arith.index_cast %add3A_237 : i32 to index
      %get3A_248 = arith.constant 16 : index
      %get3A_249 = tpu.vector_load %arg10[%get3A_247, %get3A_248] {strides = array<i32>} : memref<512x32xf32, #tpu.memory_space<vmem>>, vector<16xf32>,
      %mul3A_250 = arith.mulf %get3A_240, %get3A_246 : vector<16xf32>
      %mul3A_251 = arith.mulf %get3A_243, %get3A_249 : vector<16xf32>
      %add3A_252 = arith.addf %mul3A_250, %mul3A_251 : vector<16xf32>
      %mul3A_253 = arith.constant 16 : i32
      %mul3A_254 = vector.broadcast %mul3A_253 : i32 to vector<16xi32>
      %mul3A_255 = arith.muli %iota3A, %mul3A_254 : vector<16xi32>
      %add3A_256 = arith.constant 4 : i32
      %add3A_257 = vector.broadcast %add3A_256 : i32 to vector<16xi32>
      %add3A_258 = arith.addi %mul3A_255, %add3A_257 : vector<16xi32>
      tpu.vector_store_idx %arg12[%add3A_258], %add3A_252 : memref<256xf32, #tpu.memory_space<vmem>>[vector<16xi32>], vector<16xf32>,
      %mul3A_259 = arith.constant 16 : i32
      %mul3A_260 = arith.muli %scan3A_134, %mul3A_259 : i32
      %add3A_261 = arith.constant 5 : i32
      %add3A_262 = arith.addi %mul3A_260, %add3A_261 : i32
      %get3A_263 = arith.index_cast %add3A_262 : i32 to index
      %get3A_264 = arith.constant 0 : index
      %get3A_265 = tpu.vector_load %arg9[%get3A_263, %get3A_264] {strides = array<i32>} : memref<512x32xf32, #tpu.memory_space<vmem>>, vector<16xf32>,
      %get3A_266 = arith.index_cast %add3A_262 : i32 to index
      %get3A_267 = arith.constant 16 : index
      %get3A_268 = tpu.vector_load %arg9[%get3A_266, %get3A_267] {strides = array<i32>} : memref<512x32xf32, #tpu.memory_space<vmem>>, vector<16xf32>,
      %get3A_269 = arith.index_cast %add3A_262 : i32 to index
      %get3A_270 = arith.constant 0 : index
      %get3A_271 = tpu.vector_load %arg10[%get3A_269, %get3A_270] {strides = array<i32>} : memref<512x32xf32, #tpu.memory_space<vmem>>, vector<16xf32>,
      %get3A_272 = arith.index_cast %add3A_262 : i32 to index
      %get3A_273 = arith.constant 16 : index
      %get3A_274 = tpu.vector_load %arg10[%get3A_272, %get3A_273] {strides = array<i32>} : memref<512x32xf32, #tpu.memory_space<vmem>>, vector<16xf32>,
      %mul3A_275 = arith.mulf %get3A_265, %get3A_271 : vector<16xf32>
      %mul3A_276 = arith.mulf %get3A_268, %get3A_274 : vector<16xf32>
      %add3A_277 = arith.addf %mul3A_275, %mul3A_276 : vector<16xf32>
      %mul3A_278 = arith.constant 16 : i32
      %mul3A_279 = vector.broadcast %mul3A_278 : i32 to vector<16xi32>
      %mul3A_280 = arith.muli %iota3A, %mul3A_279 : vector<16xi32>
      %add3A_281 = arith.constant 5 : i32
      %add3A_282 = vector.broadcast %add3A_281 : i32 to vector<16xi32>
      %add3A_283 = arith.addi %mul3A_280, %add3A_282 : vector<16xi32>
      tpu.vector_store_idx %arg12[%add3A_283], %add3A_277 : memref<256xf32, #tpu.memory_space<vmem>>[vector<16xi32>], vector<16xf32>,
      %mul3A_284 = arith.constant 16 : i32
      %mul3A_285 = arith.muli %scan3A_134, %mul3A_284 : i32
      %add3A_286 = arith.constant 6 : i32
      %add3A_287 = arith.addi %mul3A_285, %add3A_286 : i32
      %get3A_288 = arith.index_cast %add3A_287 : i32 to index
      %get3A_289 = arith.constant 0 : index
      %get3A_290 = tpu.vector_load %arg9[%get3A_288, %get3A_289] {strides = array<i32>} : memref<512x32xf32, #tpu.memory_space<vmem>>, vector<16xf32>,
      %get3A_291 = arith.index_cast %add3A_287 : i32 to index
      %get3A_292 = arith.constant 16 : index
      %get3A_293 = tpu.vector_load %arg9[%get3A_291, %get3A_292] {strides = array<i32>} : memref<512x32xf32, #tpu.memory_space<vmem>>, vector<16xf32>,
      %get3A_294 = arith.index_cast %add3A_287 : i32 to index
      %get3A_295 = arith.constant 0 : index
      %get3A_296 = tpu.vector_load %arg10[%get3A_294, %get3A_295] {strides = array<i32>} : memref<512x32xf32, #tpu.memory_space<vmem>>, vector<16xf32>,
      %get3A_297 = arith.index_cast %add3A_287 : i32 to index
      %get3A_298 = arith.constant 16 : index
      %get3A_299 = tpu.vector_load %arg10[%get3A_297, %get3A_298] {strides = array<i32>} : memref<512x32xf32, #tpu.memory_space<vmem>>, vector<16xf32>,
      %mul3A_300 = arith.mulf %get3A_290, %get3A_296 : vector<16xf32>
      %mul3A_301 = arith.mulf %get3A_293, %get3A_299 : vector<16xf32>
      %add3A_302 = arith.addf %mul3A_300, %mul3A_301 : vector<16xf32>
      %mul3A_303 = arith.constant 16 : i32
      %mul3A_304 = vector.broadcast %mul3A_303 : i32 to vector<16xi32>
      %mul3A_305 = arith.muli %iota3A, %mul3A_304 : vector<16xi32>
      %add3A_306 = arith.constant 6 : i32
      %add3A_307 = vector.broadcast %add3A_306 : i32 to vector<16xi32>
      %add3A_308 = arith.addi %mul3A_305, %add3A_307 : vector<16xi32>
      tpu.vector_store_idx %arg12[%add3A_308], %add3A_302 : memref<256xf32, #tpu.memory_space<vmem>>[vector<16xi32>], vector<16xf32>,
      %mul3A_309 = arith.constant 16 : i32
      %mul3A_310 = arith.muli %scan3A_134, %mul3A_309 : i32
      %add3A_311 = arith.constant 7 : i32
      %add3A_312 = arith.addi %mul3A_310, %add3A_311 : i32
      %get3A_313 = arith.index_cast %add3A_312 : i32 to index
      %get3A_314 = arith.constant 0 : index
      %get3A_315 = tpu.vector_load %arg9[%get3A_313, %get3A_314] {strides = array<i32>} : memref<512x32xf32, #tpu.memory_space<vmem>>, vector<16xf32>,
      %get3A_316 = arith.index_cast %add3A_312 : i32 to index
      %get3A_317 = arith.constant 16 : index
      %get3A_318 = tpu.vector_load %arg9[%get3A_316, %get3A_317] {strides = array<i32>} : memref<512x32xf32, #tpu.memory_space<vmem>>, vector<16xf32>,
      %get3A_319 = arith.index_cast %add3A_312 : i32 to index
      %get3A_320 = arith.constant 0 : index
      %get3A_321 = tpu.vector_load %arg10[%get3A_319, %get3A_320] {strides = array<i32>} : memref<512x32xf32, #tpu.memory_space<vmem>>, vector<16xf32>,
      %get3A_322 = arith.index_cast %add3A_312 : i32 to index
      %get3A_323 = arith.constant 16 : index
      %get3A_324 = tpu.vector_load %arg10[%get3A_322, %get3A_323] {strides = array<i32>} : memref<512x32xf32, #tpu.memory_space<vmem>>, vector<16xf32>,
      %mul3A_325 = arith.mulf %get3A_315, %get3A_321 : vector<16xf32>
      %mul3A_326 = arith.mulf %get3A_318, %get3A_324 : vector<16xf32>
      %add3A_327 = arith.addf %mul3A_325, %mul3A_326 : vector<16xf32>
      %mul3A_328 = arith.constant 16 : i32
      %mul3A_329 = vector.broadcast %mul3A_328 : i32 to vector<16xi32>
      %mul3A_330 = arith.muli %iota3A, %mul3A_329 : vector<16xi32>
      %add3A_331 = arith.constant 7 : i32
      %add3A_332 = vector.broadcast %add3A_331 : i32 to vector<16xi32>
      %add3A_333 = arith.addi %mul3A_330, %add3A_332 : vector<16xi32>
      tpu.vector_store_idx %arg12[%add3A_333], %add3A_327 : memref<256xf32, #tpu.memory_space<vmem>>[vector<16xi32>], vector<16xf32>,
      %mul3A_334 = arith.constant 16 : i32
      %mul3A_335 = arith.muli %scan3A_134, %mul3A_334 : i32
      %add3A_336 = arith.constant 8 : i32
      %add3A_337 = arith.addi %mul3A_335, %add3A_336 : i32
      %get3A_338 = arith.index_cast %add3A_337 : i32 to index
      %get3A_339 = arith.constant 0 : index
      %get3A_340 = tpu.vector_load %arg9[%get3A_338, %get3A_339] {strides = array<i32>} : memref<512x32xf32, #tpu.memory_space<vmem>>, vector<16xf32>,
      %get3A_341 = arith.index_cast %add3A_337 : i32 to index
      %get3A_342 = arith.constant 16 : index
      %get3A_343 = tpu.vector_load %arg9[%get3A_341, %get3A_342] {strides = array<i32>} : memref<512x32xf32, #tpu.memory_space<vmem>>, vector<16xf32>,
      %get3A_344 = arith.index_cast %add3A_337 : i32 to index
      %get3A_345 = arith.constant 0 : index
      %get3A_346 = tpu.vector_load %arg10[%get3A_344, %get3A_345] {strides = array<i32>} : memref<512x32xf32, #tpu.memory_space<vmem>>, vector<16xf32>,
      %get3A_347 = arith.index_cast %add3A_337 : i32 to index
      %get3A_348 = arith.constant 16 : index
      %get3A_349 = tpu.vector_load %arg10[%get3A_347, %get3A_348] {strides = array<i32>} : memref<512x32xf32, #tpu.memory_space<vmem>>, vector<16xf32>,
      %mul3A_350 = arith.mulf %get3A_340, %get3A_346 : vector<16xf32>
      %mul3A_351 = arith.mulf %get3A_343, %get3A_349 : vector<16xf32>
      %add3A_352 = arith.addf %mul3A_350, %mul3A_351 : vector<16xf32>
      %mul3A_353 = arith.constant 16 : i32
      %mul3A_354 = vector.broadcast %mul3A_353 : i32 to vector<16xi32>
      %mul3A_355 = arith.muli %iota3A, %mul3A_354 : vector<16xi32>
      %add3A_356 = arith.constant 8 : i32
      %add3A_357 = vector.broadcast %add3A_356 : i32 to vector<16xi32>
      %add3A_358 = arith.addi %mul3A_355, %add3A_357 : vector<16xi32>
      tpu.vector_store_idx %arg12[%add3A_358], %add3A_352 : memref<256xf32, #tpu.memory_space<vmem>>[vector<16xi32>], vector<16xf32>,
      %mul3A_359 = arith.constant 16 : i32
      %mul3A_360 = arith.muli %scan3A_134, %mul3A_359 : i32
      %add3A_361 = arith.constant 9 : i32
      %add3A_362 = arith.addi %mul3A_360, %add3A_361 : i32
      %get3A_363 = arith.index_cast %add3A_362 : i32 to index
      %get3A_364 = arith.constant 0 : index
      %get3A_365 = tpu.vector_load %arg9[%get3A_363, %get3A_364] {strides = array<i32>} : memref<512x32xf32, #tpu.memory_space<vmem>>, vector<16xf32>,
      %get3A_366 = arith.index_cast %add3A_362 : i32 to index
      %get3A_367 = arith.constant 16 : index
      %get3A_368 = tpu.vector_load %arg9[%get3A_366, %get3A_367] {strides = array<i32>} : memref<512x32xf32, #tpu.memory_space<vmem>>, vector<16xf32>,
      %get3A_369 = arith.index_cast %add3A_362 : i32 to index
      %get3A_370 = arith.constant 0 : index
      %get3A_371 = tpu.vector_load %arg10[%get3A_369, %get3A_370] {strides = array<i32>} : memref<512x32xf32, #tpu.memory_space<vmem>>, vector<16xf32>,
      %get3A_372 = arith.index_cast %add3A_362 : i32 to index
      %get3A_373 = arith.constant 16 : index
      %get3A_374 = tpu.vector_load %arg10[%get3A_372, %get3A_373] {strides = array<i32>} : memref<512x32xf32, #tpu.memory_space<vmem>>, vector<16xf32>,
      %mul3A_375 = arith.mulf %get3A_365, %get3A_371 : vector<16xf32>
      %mul3A_376 = arith.mulf %get3A_368, %get3A_374 : vector<16xf32>
      %add3A_377 = arith.addf %mul3A_375, %mul3A_376 : vector<16xf32>
      %mul3A_378 = arith.constant 16 : i32
      %mul3A_379 = vector.broadcast %mul3A_378 : i32 to vector<16xi32>
      %mul3A_380 = arith.muli %iota3A, %mul3A_379 : vector<16xi32>
      %add3A_381 = arith.constant 9 : i32
      %add3A_382 = vector.broadcast %add3A_381 : i32 to vector<16xi32>
      %add3A_383 = arith.addi %mul3A_380, %add3A_382 : vector<16xi32>
      tpu.vector_store_idx %arg12[%add3A_383], %add3A_377 : memref<256xf32, #tpu.memory_space<vmem>>[vector<16xi32>], vector<16xf32>,
      %mul3A_384 = arith.constant 16 : i32
      %mul3A_385 = arith.muli %scan3A_134, %mul3A_384 : i32
      %add3A_386 = arith.constant 10 : i32
      %add3A_387 = arith.addi %mul3A_385, %add3A_386 : i32
      %get3A_388 = arith.index_cast %add3A_387 : i32 to index
      %get3A_389 = arith.constant 0 : index
      %get3A_390 = tpu.vector_load %arg9[%get3A_388, %get3A_389] {strides = array<i32>} : memref<512x32xf32, #tpu.memory_space<vmem>>, vector<16xf32>,
      %get3A_391 = arith.index_cast %add3A_387 : i32 to index
      %get3A_392 = arith.constant 16 : index
      %get3A_393 = tpu.vector_load %arg9[%get3A_391, %get3A_392] {strides = array<i32>} : memref<512x32xf32, #tpu.memory_space<vmem>>, vector<16xf32>,
      %get3A_394 = arith.index_cast %add3A_387 : i32 to index
      %get3A_395 = arith.constant 0 : index
      %get3A_396 = tpu.vector_load %arg10[%get3A_394, %get3A_395] {strides = array<i32>} : memref<512x32xf32, #tpu.memory_space<vmem>>, vector<16xf32>,
      %get3A_397 = arith.index_cast %add3A_387 : i32 to index
      %get3A_398 = arith.constant 16 : index
      %get3A_399 = tpu.vector_load %arg10[%get3A_397, %get3A_398] {strides = array<i32>} : memref<512x32xf32, #tpu.memory_space<vmem>>, vector<16xf32>,
      %mul3A_400 = arith.mulf %get3A_390, %get3A_396 : vector<16xf32>
      %mul3A_401 = arith.mulf %get3A_393, %get3A_399 : vector<16xf32>
      %add3A_402 = arith.addf %mul3A_400, %mul3A_401 : vector<16xf32>
      %mul3A_403 = arith.constant 16 : i32
      %mul3A_404 = vector.broadcast %mul3A_403 : i32 to vector<16xi32>
      %mul3A_405 = arith.muli %iota3A, %mul3A_404 : vector<16xi32>
      %add3A_406 = arith.constant 10 : i32
      %add3A_407 = vector.broadcast %add3A_406 : i32 to vector<16xi32>
      %add3A_408 = arith.addi %mul3A_405, %add3A_407 : vector<16xi32>
      tpu.vector_store_idx %arg12[%add3A_408], %add3A_402 : memref<256xf32, #tpu.memory_space<vmem>>[vector<16xi32>], vector<16xf32>,
      %mul3A_409 = arith.constant 16 : i32
      %mul3A_410 = arith.muli %scan3A_134, %mul3A_409 : i32
      %add3A_411 = arith.constant 11 : i32
      %add3A_412 = arith.addi %mul3A_410, %add3A_411 : i32
      %get3A_413 = arith.index_cast %add3A_412 : i32 to index
      %get3A_414 = arith.constant 0 : index
      %get3A_415 = tpu.vector_load %arg9[%get3A_413, %get3A_414] {strides = array<i32>} : memref<512x32xf32, #tpu.memory_space<vmem>>, vector<16xf32>,
      %get3A_416 = arith.index_cast %add3A_412 : i32 to index
      %get3A_417 = arith.constant 16 : index
      %get3A_418 = tpu.vector_load %arg9[%get3A_416, %get3A_417] {strides = array<i32>} : memref<512x32xf32, #tpu.memory_space<vmem>>, vector<16xf32>,
      %get3A_419 = arith.index_cast %add3A_412 : i32 to index
      %get3A_420 = arith.constant 0 : index
      %get3A_421 = tpu.vector_load %arg10[%get3A_419, %get3A_420] {strides = array<i32>} : memref<512x32xf32, #tpu.memory_space<vmem>>, vector<16xf32>,
      %get3A_422 = arith.index_cast %add3A_412 : i32 to index
      %get3A_423 = arith.constant 16 : index
      %get3A_424 = tpu.vector_load %arg10[%get3A_422, %get3A_423] {strides = array<i32>} : memref<512x32xf32, #tpu.memory_space<vmem>>, vector<16xf32>,
      %mul3A_425 = arith.mulf %get3A_415, %get3A_421 : vector<16xf32>
      %mul3A_426 = arith.mulf %get3A_418, %get3A_424 : vector<16xf32>
      %add3A_427 = arith.addf %mul3A_425, %mul3A_426 : vector<16xf32>
      %mul3A_428 = arith.constant 16 : i32
      %mul3A_429 = vector.broadcast %mul3A_428 : i32 to vector<16xi32>
      %mul3A_430 = arith.muli %iota3A, %mul3A_429 : vector<16xi32>
      %add3A_431 = arith.constant 11 : i32
      %add3A_432 = vector.broadcast %add3A_431 : i32 to vector<16xi32>
      %add3A_433 = arith.addi %mul3A_430, %add3A_432 : vector<16xi32>
      tpu.vector_store_idx %arg12[%add3A_433], %add3A_427 : memref<256xf32, #tpu.memory_space<vmem>>[vector<16xi32>], vector<16xf32>,
      %mul3A_434 = arith.constant 16 : i32
      %mul3A_435 = arith.muli %scan3A_134, %mul3A_434 : i32
      %add3A_436 = arith.constant 12 : i32
      %add3A_437 = arith.addi %mul3A_435, %add3A_436 : i32
      %get3A_438 = arith.index_cast %add3A_437 : i32 to index
      %get3A_439 = arith.constant 0 : index
      %get3A_440 = tpu.vector_load %arg9[%get3A_438, %get3A_439] {strides = array<i32>} : memref<512x32xf32, #tpu.memory_space<vmem>>, vector<16xf32>,
      %get3A_441 = arith.index_cast %add3A_437 : i32 to index
      %get3A_442 = arith.constant 16 : index
      %get3A_443 = tpu.vector_load %arg9[%get3A_441, %get3A_442] {strides = array<i32>} : memref<512x32xf32, #tpu.memory_space<vmem>>, vector<16xf32>,
      %get3A_444 = arith.index_cast %add3A_437 : i32 to index
      %get3A_445 = arith.constant 0 : index
      %get3A_446 = tpu.vector_load %arg10[%get3A_444, %get3A_445] {strides = array<i32>} : memref<512x32xf32, #tpu.memory_space<vmem>>, vector<16xf32>,
      %get3A_447 = arith.index_cast %add3A_437 : i32 to index
      %get3A_448 = arith.constant 16 : index
      %get3A_449 = tpu.vector_load %arg10[%get3A_447, %get3A_448] {strides = array<i32>} : memref<512x32xf32, #tpu.memory_space<vmem>>, vector<16xf32>,
      %mul3A_450 = arith.mulf %get3A_440, %get3A_446 : vector<16xf32>
      %mul3A_451 = arith.mulf %get3A_443, %get3A_449 : vector<16xf32>
      %add3A_452 = arith.addf %mul3A_450, %mul3A_451 : vector<16xf32>
      %mul3A_453 = arith.constant 16 : i32
      %mul3A_454 = vector.broadcast %mul3A_453 : i32 to vector<16xi32>
      %mul3A_455 = arith.muli %iota3A, %mul3A_454 : vector<16xi32>
      %add3A_456 = arith.constant 12 : i32
      %add3A_457 = vector.broadcast %add3A_456 : i32 to vector<16xi32>
      %add3A_458 = arith.addi %mul3A_455, %add3A_457 : vector<16xi32>
      tpu.vector_store_idx %arg12[%add3A_458], %add3A_452 : memref<256xf32, #tpu.memory_space<vmem>>[vector<16xi32>], vector<16xf32>,
      %mul3A_459 = arith.constant 16 : i32
      %mul3A_460 = arith.muli %scan3A_134, %mul3A_459 : i32
      %add3A_461 = arith.constant 13 : i32
      %add3A_462 = arith.addi %mul3A_460, %add3A_461 : i32
      %get3A_463 = arith.index_cast %add3A_462 : i32 to index
      %get3A_464 = arith.constant 0 : index
      %get3A_465 = tpu.vector_load %arg9[%get3A_463, %get3A_464] {strides = array<i32>} : memref<512x32xf32, #tpu.memory_space<vmem>>, vector<16xf32>,
      %get3A_466 = arith.index_cast %add3A_462 : i32 to index
      %get3A_467 = arith.constant 16 : index
      %get3A_468 = tpu.vector_load %arg9[%get3A_466, %get3A_467] {strides = array<i32>} : memref<512x32xf32, #tpu.memory_space<vmem>>, vector<16xf32>,
      %get3A_469 = arith.index_cast %add3A_462 : i32 to index
      %get3A_470 = arith.constant 0 : index
      %get3A_471 = tpu.vector_load %arg10[%get3A_469, %get3A_470] {strides = array<i32>} : memref<512x32xf32, #tpu.memory_space<vmem>>, vector<16xf32>,
      %get3A_472 = arith.index_cast %add3A_462 : i32 to index
      %get3A_473 = arith.constant 16 : index
      %get3A_474 = tpu.vector_load %arg10[%get3A_472, %get3A_473] {strides = array<i32>} : memref<512x32xf32, #tpu.memory_space<vmem>>, vector<16xf32>,
      %mul3A_475 = arith.mulf %get3A_465, %get3A_471 : vector<16xf32>
      %mul3A_476 = arith.mulf %get3A_468, %get3A_474 : vector<16xf32>
      %add3A_477 = arith.addf %mul3A_475, %mul3A_476 : vector<16xf32>
      %mul3A_478 = arith.constant 16 : i32
      %mul3A_479 = vector.broadcast %mul3A_478 : i32 to vector<16xi32>
      %mul3A_480 = arith.muli %iota3A, %mul3A_479 : vector<16xi32>
      %add3A_481 = arith.constant 13 : i32
      %add3A_482 = vector.broadcast %add3A_481 : i32 to vector<16xi32>
      %add3A_483 = arith.addi %mul3A_480, %add3A_482 : vector<16xi32>
      tpu.vector_store_idx %arg12[%add3A_483], %add3A_477 : memref<256xf32, #tpu.memory_space<vmem>>[vector<16xi32>], vector<16xf32>,
      %mul3A_484 = arith.constant 16 : i32
      %mul3A_485 = arith.muli %scan3A_134, %mul3A_484 : i32
      %add3A_486 = arith.constant 14 : i32
      %add3A_487 = arith.addi %mul3A_485, %add3A_486 : i32
      %get3A_488 = arith.index_cast %add3A_487 : i32 to index
      %get3A_489 = arith.constant 0 : index
      %get3A_490 = tpu.vector_load %arg9[%get3A_488, %get3A_489] {strides = array<i32>} : memref<512x32xf32, #tpu.memory_space<vmem>>, vector<16xf32>,
      %get3A_491 = arith.index_cast %add3A_487 : i32 to index
      %get3A_492 = arith.constant 16 : index
      %get3A_493 = tpu.vector_load %arg9[%get3A_491, %get3A_492] {strides = array<i32>} : memref<512x32xf32, #tpu.memory_space<vmem>>, vector<16xf32>,
      %get3A_494 = arith.index_cast %add3A_487 : i32 to index
      %get3A_495 = arith.constant 0 : index
      %get3A_496 = tpu.vector_load %arg10[%get3A_494, %get3A_495] {strides = array<i32>} : memref<512x32xf32, #tpu.memory_space<vmem>>, vector<16xf32>,
      %get3A_497 = arith.index_cast %add3A_487 : i32 to index
      %get3A_498 = arith.constant 16 : index
      %get3A_499 = tpu.vector_load %arg10[%get3A_497, %get3A_498] {strides = array<i32>} : memref<512x32xf32, #tpu.memory_space<vmem>>, vector<16xf32>,
      %mul3A_500 = arith.mulf %get3A_490, %get3A_496 : vector<16xf32>
      %mul3A_501 = arith.mulf %get3A_493, %get3A_499 : vector<16xf32>
      %add3A_502 = arith.addf %mul3A_500, %mul3A_501 : vector<16xf32>
      %mul3A_503 = arith.constant 16 : i32
      %mul3A_504 = vector.broadcast %mul3A_503 : i32 to vector<16xi32>
      %mul3A_505 = arith.muli %iota3A, %mul3A_504 : vector<16xi32>
      %add3A_506 = arith.constant 14 : i32
      %add3A_507 = vector.broadcast %add3A_506 : i32 to vector<16xi32>
      %add3A_508 = arith.addi %mul3A_505, %add3A_507 : vector<16xi32>
      tpu.vector_store_idx %arg12[%add3A_508], %add3A_502 : memref<256xf32, #tpu.memory_space<vmem>>[vector<16xi32>], vector<16xf32>,
      %mul3A_509 = arith.constant 16 : i32
      %mul3A_510 = arith.muli %scan3A_134, %mul3A_509 : i32
      %add3A_511 = arith.constant 15 : i32
      %add3A_512 = arith.addi %mul3A_510, %add3A_511 : i32
      %get3A_513 = arith.index_cast %add3A_512 : i32 to index
      %get3A_514 = arith.constant 0 : index
      %get3A_515 = tpu.vector_load %arg9[%get3A_513, %get3A_514] {strides = array<i32>} : memref<512x32xf32, #tpu.memory_space<vmem>>, vector<16xf32>,
      %get3A_516 = arith.index_cast %add3A_512 : i32 to index
      %get3A_517 = arith.constant 16 : index
      %get3A_518 = tpu.vector_load %arg9[%get3A_516, %get3A_517] {strides = array<i32>} : memref<512x32xf32, #tpu.memory_space<vmem>>, vector<16xf32>,
      %get3A_519 = arith.index_cast %add3A_512 : i32 to index
      %get3A_520 = arith.constant 0 : index
      %get3A_521 = tpu.vector_load %arg10[%get3A_519, %get3A_520] {strides = array<i32>} : memref<512x32xf32, #tpu.memory_space<vmem>>, vector<16xf32>,
      %get3A_522 = arith.index_cast %add3A_512 : i32 to index
      %get3A_523 = arith.constant 16 : index
      %get3A_524 = tpu.vector_load %arg10[%get3A_522, %get3A_523] {strides = array<i32>} : memref<512x32xf32, #tpu.memory_space<vmem>>, vector<16xf32>,
      %mul3A_525 = arith.mulf %get3A_515, %get3A_521 : vector<16xf32>
      %mul3A_526 = arith.mulf %get3A_518, %get3A_524 : vector<16xf32>
      %add3A_527 = arith.addf %mul3A_525, %mul3A_526 : vector<16xf32>
      %mul3A_528 = arith.constant 16 : i32
      %mul3A_529 = vector.broadcast %mul3A_528 : i32 to vector<16xi32>
      %mul3A_530 = arith.muli %iota3A, %mul3A_529 : vector<16xi32>
      %add3A_531 = arith.constant 15 : i32
      %add3A_532 = vector.broadcast %add3A_531 : i32 to vector<16xi32>
      %add3A_533 = arith.addi %mul3A_530, %add3A_532 : vector<16xi32>
      tpu.vector_store_idx %arg12[%add3A_533], %add3A_527 : memref<256xf32, #tpu.memory_space<vmem>>[vector<16xi32>], vector<16xf32>,
      %get3A_534 = arith.constant 0 : index
      %get3A_535 = tpu.vector_load %arg12[%get3A_534] {strides = array<i32>} : memref<256xf32, #tpu.memory_space<vmem>>, vector<16xf32>,
      %get3A_536 = arith.constant 16 : index
      %get3A_537 = tpu.vector_load %arg12[%get3A_536] {strides = array<i32>} : memref<256xf32, #tpu.memory_space<vmem>>, vector<16xf32>,
      %add3A_538 = arith.addf %get3A_535, %get3A_537 : vector<16xf32>
      %get3A_539 = arith.constant 32 : index
      %get3A_540 = tpu.vector_load %arg12[%get3A_539] {strides = array<i32>} : memref<256xf32, #tpu.memory_space<vmem>>, vector<16xf32>,
      %add3A_541 = arith.addf %add3A_538, %get3A_540 : vector<16xf32>
      %get3A_542 = arith.constant 48 : index
      %get3A_543 = tpu.vector_load %arg12[%get3A_542] {strides = array<i32>} : memref<256xf32, #tpu.memory_space<vmem>>, vector<16xf32>,
      %add3A_544 = arith.addf %add3A_541, %get3A_543 : vector<16xf32>
      %get3A_545 = arith.constant 64 : index
      %get3A_546 = tpu.vector_load %arg12[%get3A_545] {strides = array<i32>} : memref<256xf32, #tpu.memory_space<vmem>>, vector<16xf32>,
      %add3A_547 = arith.addf %add3A_544, %get3A_546 : vector<16xf32>
      %get3A_548 = arith.constant 80 : index
      %get3A_549 = tpu.vector_load %arg12[%get3A_548] {strides = array<i32>} : memref<256xf32, #tpu.memory_space<vmem>>, vector<16xf32>,
      %add3A_550 = arith.addf %add3A_547, %get3A_549 : vector<16xf32>
      %get3A_551 = arith.constant 96 : index
      %get3A_552 = tpu.vector_load %arg12[%get3A_551] {strides = array<i32>} : memref<256xf32, #tpu.memory_space<vmem>>, vector<16xf32>,
      %add3A_553 = arith.addf %add3A_550, %get3A_552 : vector<16xf32>
      %get3A_554 = arith.constant 112 : index
      %get3A_555 = tpu.vector_load %arg12[%get3A_554] {strides = array<i32>} : memref<256xf32, #tpu.memory_space<vmem>>, vector<16xf32>,
      %add3A_556 = arith.addf %add3A_553, %get3A_555 : vector<16xf32>
      %get3A_557 = arith.constant 128 : index
      %get3A_558 = tpu.vector_load %arg12[%get3A_557] {strides = array<i32>} : memref<256xf32, #tpu.memory_space<vmem>>, vector<16xf32>,
      %add3A_559 = arith.addf %add3A_556, %get3A_558 : vector<16xf32>
      %get3A_560 = arith.constant 144 : index
      %get3A_561 = tpu.vector_load %arg12[%get3A_560] {strides = array<i32>} : memref<256xf32, #tpu.memory_space<vmem>>, vector<16xf32>,
      %add3A_562 = arith.addf %add3A_559, %get3A_561 : vector<16xf32>
      %get3A_563 = arith.constant 160 : index
      %get3A_564 = tpu.vector_load %arg12[%get3A_563] {strides = array<i32>} : memref<256xf32, #tpu.memory_space<vmem>>, vector<16xf32>,
      %add3A_565 = arith.addf %add3A_562, %get3A_564 : vector<16xf32>
      %get3A_566 = arith.constant 176 : index
      %get3A_567 = tpu.vector_load %arg12[%get3A_566] {strides = array<i32>} : memref<256xf32, #tpu.memory_space<vmem>>, vector<16xf32>,
      %add3A_568 = arith.addf %add3A_565, %get3A_567 : vector<16xf32>
      %get3A_569 = arith.constant 192 : index
      %get3A_570 = tpu.vector_load %arg12[%get3A_569] {strides = array<i32>} : memref<256xf32, #tpu.memory_space<vmem>>, vector<16xf32>,
      %add3A_571 = arith.addf %add3A_568, %get3A_570 : vector<16xf32>
      %get3A_572 = arith.constant 208 : index
      %get3A_573 = tpu.vector_load %arg12[%get3A_572] {strides = array<i32>} : memref<256xf32, #tpu.memory_space<vmem>>, vector<16xf32>,
      %add3A_574 = arith.addf %add3A_571, %get3A_573 : vector<16xf32>
      %get3A_575 = arith.constant 224 : index
      %get3A_576 = tpu.vector_load %arg12[%get3A_575] {strides = array<i32>} : memref<256xf32, #tpu.memory_space<vmem>>, vector<16xf32>,
      %add3A_577 = arith.addf %add3A_574, %get3A_576 : vector<16xf32>
      %get3A_578 = arith.constant 240 : index
      %get3A_579 = tpu.vector_load %arg12[%get3A_578] {strides = array<i32>} : memref<256xf32, #tpu.memory_space<vmem>>, vector<16xf32>,
      %add3A_580 = arith.addf %add3A_577, %get3A_579 : vector<16xf32>
      %mul3A_581 = arith.constant 16 : i32
      %mul3A_582 = arith.muli %scan3A_134, %mul3A_581 : i32
      %swap3A = arith.index_cast %mul3A_582 : i32 to index
      %swap3A_583 = tpu.vector_load %arg11[%swap3A] {strides = array<i32>} : memref<512xf32, #tpu.memory_space<vmem>>, vector<16xf32>,
      tpu.vector_store %arg11[%swap3A], %add3A_580 {strides = array<i32>} : memref<512xf32, #tpu.memory_space<vmem>>, vector<16xf32>,
    }
    %scan3A_133 = arith.constant 32 : i32
    "tpu.region"() ({
      %run_scoped3A = tpu.sem_alloc : memref<!tpu.dma_semaphore, #tpu.memory_space<semaphore_mem>>
      %dma_start3A_134 = tpu.memref_slice %arg6[%mul3A_2] : memref<16384xf32, #tpu.memory_space<hbm>> -> memref<512xf32, #tpu.memory_space<hbm>>
      %dma_start3A_135 = tpu.memref_slice %arg6[%mul3A_2] : memref<16384xf32, #tpu.memory_space<hbm>> -> memref<512xf32, #tpu.memory_space<hbm>>
      tpu.enqueue_dma source(%arg11 : memref<512xf32, #tpu.memory_space<vmem>>) target(%dma_start3A_135 : memref<512xf32, #tpu.memory_space<hbm>>) target_semaphore(%run_scoped3A : memref<!tpu.dma_semaphore, #tpu.memory_space<semaphore_mem>>)
      %dma_wait3A_136 = tpu.memref_slice %arg6[%mul3A_2] : memref<16384xf32, #tpu.memory_space<hbm>> -> memref<512xf32, #tpu.memory_space<hbm>>
      %dma_wait3A_137 = tpu.memref_slice %arg6[%mul3A_2] : memref<16384xf32, #tpu.memory_space<hbm>> -> memref<512xf32, #tpu.memory_space<hbm>>
      tpu.wait_dma2 semaphore(%run_scoped3A : memref<!tpu.dma_semaphore, #tpu.memory_space<semaphore_mem>>) src(%arg11 : memref<512xf32, #tpu.memory_space<vmem>>) dst(%dma_wait3A_137 : memref<512xf32, #tpu.memory_space<hbm>>)
      tpu.yield
    }) : () -> ()
    return
  }
}

</mosaic_0001>

<sc_bundles>
// kernel: kernel.3.cloned.1.call-start
scs
__scs_entry_jumppad:
0x0: {  	(pc) =	sbr.rel $0x88, $3  }
0x1: {  	(tag) =	ssettag $0x0;
	lr =	simm.s32 $0x1  }
0x2: {  	[smem:$0x3F9D] =	sst lr;
	_ =	strace $0xD0000000  }
0x3: {  	_ = 	snop  }
0x4: {  	_ = 	snop  }
0x5: {  	_ = 	snop  }
0x6: {  	_ = 	snop  }
0x7: {  	_ = 	snop  }
__scs_overlays_trampoline_lowered:
0x8: {  	[smem:$0x3FAC] =	sst s0  }
0x9: {  	[smem:$0x3FAD] =	sst s1  }
0xa: {  	[smem:$0x3FAE] =	sst s2  }
0xb: {  	[smem:$0x3FAF] =	sst s3  }
0xc: {  	[smem:$0x3FB0] =	sst s4  }
0xd: {  	[smem:$0x3FB1] =	sst s5  }
0xe: {  	[smem:$0x3FB2] =	sst s6  }
0xf: {  	[smem:$0x3FB3] =	sst s7  }
0x10: {  	[smem:$0x3FB4] =	sst s8  }
0x11: {  	[smem:$0x3FB5] =	sst s9;
	s0 =	simm.s32 @!p0 $0x0  }
0x12: {  	s1 =	sld [smem:$0x3F9B];
	s0 =	simm.s32 @p0 $0x1  }
0x13: {  	[smem:$0x3FB6] =	sst s0;
	s0 =	simm.s32 @!p1 $0x0  }
0x14: {  	s2 =	sld [smem:$0x3F9A];
	s0 =	simm.s32 @p1 $0x1  }
0x15: {  	[smem:$0x3FB7] =	sst s0;
	s0 =	simm.s32 @!p2 $0x0  }
0x16: {  	s3 =	sld [smem:$0x3FDB];
	s0 =	simm.s32 @p2 $0x1  }
0x17: {  	s4 =	simm.s32 $0x1BF5;
	[smem:$0x3FB9] =	sst s0  }
0x18: {  	s0 =	sld [smem:$0x3F9C];
	_ =	swait.ge [sflag:s4], $0x0  }
0x19: {  	s7 =	sld [smem:$0x3F9D]  }
0x1a: {  	s8 =	sadd.s32 $0xFFFFE003, lr  }
0x1b: {  	s9 =	sadd.s32 $0xFFFFFEF7, lr;
	s5 =	simm.s32 $0xFFFFFFFF;
	p2 =	slt.u32 s8, $0xFFFFF086  }
0x1c: {  	p1 =	slt.u32 s9, $0xF7A;
	s5 =	simm.s32 @!p2 $0x0  }
0x1d: {  	s5 =	simm.s32 @p1 $0x1;
	p0 =	seq.s32 s7, s2  }
0x1e: {  	s7 =	smul.u32 @!p0 $0xF7A, s2;
	p2 =	seq.s32 @!p0 s5, $0x0  }
0x1f: {  	s9 =	smul.u32 $0xF7A, s1;
	s8 =	simm.s32 @!p0 $0x1BF5;
	p2 =	por !p2, p0  }
0x20: {  	[sflag:s8] =	ssyncset.s32 @!p0 $0xFFFFF086;
	s6 =	sadd.s32 @!p0 s3, s7;
	s7 =	simm.s32 @!p0 $0x108  }
0x21: {  	s3 =	sadd.s32 s3, s9;
	s6 =	sadd.s32 @!p0 $0x88, s6;
	s7 =	simm.s32 @p2 $0x1082  }
0x22: {  	[simem:s7], [sflag:s8] =	dma.local @!p0 [hbm:s6], $0xF7A  }
0x23: {  	s9 =	sor.u32 $0xD0000000, s2;
	s6 =	simm.s32 $0x108;
	_ =	swait.ge @!p0 [sflag:s8], $0x0  }
0x24: {  	s3 =	sadd.s32 $0x88, s3;
	s6 =	simm.s32 @!p1 $0x1082;
	[sflag:s4] =	ssyncset.s32 $0xFFFFF086  }
0x25: {  	[simem:s6], [sflag:s4] =	dma.local [hbm:s3], $0xF7A  }
0x26: {  	[smem:$0x3F9D] =	sst s1;
	(tag) =	ssettag s2;
	_ =	strace s9  }
0x27: {  	s1 =	sld [smem:$0x3FAD]  }
0x28: {  	s2 =	sld [smem:$0x3FAE]  }
0x29: {  	s4 =	sld [smem:$0x3FB0]  }
0x2a: {  	p0 =	seq.s32 s5, $0x0;
	s5 =	sld [smem:$0x3FB1]  }
0x2b: {  	s6 =	sld [smem:$0x3FB2]  }
0x2c: {  	s7 =	sld [smem:$0x3FB3]  }
0x2d: {  	s3 =	simm.s32 $0x108;
	s8 =	sld [smem:$0x3FB4]  }
0x2e: {  	s3 =	simm.s32 @!p0 $0x1082;
	s9 =	sld [smem:$0x3FB5]  }
0x2f: {  	lr =	sadd.s32 s0, s3;
	s0 =	sld [smem:$0x3FAC]  }
0x30: {  	s3 =	sld [smem:$0x3FAF]  }
0x31: {  	[smem:$0x3FB8] =	sst s10  }
0x32: {  	s10 =	sld [smem:$0x3FB6];
	_ =	sdelay $0x3  }
0x33: {  	p0 =	seq.s32 s10, $0x1;
	s10 =	sld [smem:$0x3FB8];
	_ =	sdelay $0x3  }
0x34: {  	[smem:$0x3FB8] =	sst s10  }
0x35: {  	s10 =	sld [smem:$0x3FB7];
	_ =	sdelay $0x3  }
0x36: {  	p1 =	seq.s32 s10, $0x1;
	s10 =	sld [smem:$0x3FB8];
	_ =	sdelay $0x3  }
0x37: {  	[smem:$0x3FB8] =	sst s10  }
0x38: {  	s10 =	sld [smem:$0x3FB9]  }
0x39: {  	_ = 	snop;
	(pc) =	sbr.ind lr, $3  }
0x3a: {  	_ = 	snop  }
0x3b: {  	_ = 	snop  }
0x3c: {  	p2 =	seq.s32 s10, $0x1;
	s10 =	sld [smem:$0x3FB8]  }
0x3d: {  	_ =	shalt  }
0x3e: {  	_ =	shalt  }
0x3f: {  	_ =	shalt  }
0x40: {  	_ =	shalt  }
0x41: {  	_ =	shalt  }
0x42: {  	_ =	shalt  }
0x43: {  	_ =	shalt  }
0x44: {  	_ =	shalt  }
0x45: {  	_ =	shalt  }
0x46: {  	_ =	shalt  }
0x47: {  	_ =	shalt  }
0x48: {  	_ =	shalt  }
0x49: {  	_ =	shalt  }
0x4a: {  	_ =	shalt  }
0x4b: {  	_ =	shalt  }
0x4c: {  	_ =	shalt  }
0x4d: {  	_ =	shalt  }
0x4e: {  	_ =	shalt  }
0x4f: {  	_ =	shalt  }
0x50: {  	_ =	shalt  }
0x51: {  	_ =	shalt  }
0x52: {  	_ =	shalt  }
0x53: {  	_ =	shalt  }
0x54: {  	_ =	shalt  }
0x55: {  	_ =	shalt  }
0x56: {  	_ =	shalt  }
0x57: {  	_ =	shalt  }
0x58: {  	_ =	shalt  }
0x59: {  	_ =	shalt  }
0x5a: {  	_ =	shalt  }
0x5b: {  	_ =	shalt  }
0x5c: {  	_ =	shalt  }
0x5d: {  	_ =	shalt  }
0x5e: {  	_ =	shalt  }
0x5f: {  	_ =	shalt  }
0x60: {  	_ =	shalt  }
0x61: {  	_ =	shalt  }
0x62: {  	_ =	shalt  }
0x63: {  	_ =	shalt  }
0x64: {  	_ =	shalt  }
0x65: {  	_ =	shalt  }
0x66: {  	_ =	shalt  }
0x67: {  	_ =	shalt  }
0x68: {  	_ =	shalt  }
0x69: {  	_ =	shalt  }
0x6a: {  	_ =	shalt  }
0x6b: {  	_ =	shalt  }
0x6c: {  	_ =	shalt  }
0x6d: {  	_ =	shalt  }
0x6e: {  	_ =	shalt  }
0x6f: {  	_ =	shalt  }
0x70: {  	_ =	shalt  }
0x71: {  	_ =	shalt  }
0x72: {  	_ =	shalt  }
0x73: {  	_ =	shalt  }
0x74: {  	_ =	shalt  }
0x75: {  	_ =	shalt  }
0x76: {  	_ =	shalt  }
0x77: {  	_ =	shalt  }
0x78: {  	_ =	shalt  }
0x79: {  	_ =	shalt  }
0x7a: {  	_ =	shalt  }
0x7b: {  	_ =	shalt  }
0x7c: {  	_ =	shalt  }
0x7d: {  	_ =	shalt  }
0x7e: {  	_ =	shalt  }
0x7f: {  	_ =	shalt  }
0x80: {  	_ =	shalt  }
0x81: {  	_ =	shalt  }
0x82: {  	_ =	shalt  }
0x83: {  	_ =	shalt  }
0x84: {  	_ =	shalt  }
0x85: {  	_ =	shalt  }
0x86: {  	_ =	shalt  }
0x87: {  	_ =	shalt  }
.Lfunc_end0:
.L_simem_size_0:
called_computation_lowered:
.L_overlay_start_0:
0x88: {  	s2 =	sld [smem:$0x3FD9]  }
0x89: {  	s3 =	sld [smem:$0x3FFE];
	_ =	sdelay $0x1  }
0x8a: {  	s1 =	srdreg.scid  }
0x8b: {  	s0 =	sand.u32 $0x1, s1  }
0x8c: {  	s17 =	sshll.u32 s0, $0xA;
	s2 =	sadd.s32 s3, s2  }
0x8d: {  	s2 =	sadd.s32 s2, s17  }
0x8e: {  	[smem:$0x3FC4] =	sst s2  }
0x8f: {  	_ = 	snop  }
0x90: {  	s2 =	sld [smem:$0x3FC9]  }
0x91: {  	s18 =	sld [smem:$0x3FC8]  }
0x92: {  	s4 =	sld [smem:$0x3FD0];
	(tm) =	ssettm $0x1  }
0x93: {  	s5 =	sld [smem:$0x3FFB];
	_ =	sdelay $0x3  }
0x94: {  	_ =	strace s5  }
0x95: {  	s5 =	sld [smem:$0x3FFC];
	_ =	sdelay $0x3  }
0x96: {  	_ =	strace s5  }
0x97: {  	s5 =	sld [smem:$0x3FFD];
	_ =	sdelay $0x3  }
0x98: {  	_ =	strace s5  }
0x99: {  	_ =	strace $0x8FFFFFFF  }
0x9a: {  	s19 =	sld [smem:$0x3FDB];
	_ =	sdelay $0x1  }
0x9b: {  	s6 =	simm.s32 $_scs_section_size  }
0x9c: {  	s7 =	simm.s32 $_size__tile_overlayer_lowered;
	s8 =	simm.s32 $_tile_overlayer_lowered  }
0x9d: {  	s22 =	simm.s32 $0x1BFF;
	s21 =	sshll.u32 s8, $0x1;
	s5 =	sadd.s32 s6, s19  }
0x9e: {  	s9 =	simm.s32 $0x0;
	s20 =	sshll.u32 s7, $0x1;
	s7 =	sadd.s32 s21, s5  }
0x9f: {  	[timem:s9], [sflag:s22] =	dma.local [hbm:s7], s20  }
0xa0: {  	_ =	swait.ge [sflag:s22], s20  }
0xa1: {  	s6 =	ssub.s32 $0x0, s20;
	[sflag:s22] =	ssyncset.done $0x0  }
0xa2: {  	[sflag:s22] =	ssyncadd.s32 s6;
	_ =	sdelay $0x1  }
0xa3: {  	s23 =	simm.s32 $0x1B8B  }
0xa4: {  	_ =	swait.ge [sflag:s23], $0x1  }
0xa5: {  	[sflag:s23] =	ssyncset.done $0x0  }
0xa6: {  	s25 =	simm.s32 $0x1B8E;
	s24 =	sld [smem:$0x3FFE];
	[sflag:s23] =	ssyncadd.s32 $0xFFFFFFFF  }
0xa7: {  	s26 =	simm.s32 $execute0_lowered;
	[smem:$0x3FD2] =	sst s25  }
0xa8: {  	s7 =	sshll.u32 s26, $0x1;
	_ =	strace $0x80000046;
	[dreg:$0x1] =	wrdreg $0xFFFFFFFF  }
0xa9: {  	s28 =	simm.s32 $_size_execute0_lowered;
	s5 =	sadd.s32 s5, s7;
	[dreg:$0x0] =	wrdreg $0x0  }
0xaa: {  	s7 =	sshll.u32 s28, $0x1;
	[dreg:$0x2] =	wrdreg s5  }
0xab: {  	[dreg:$0x3] =	wrdreg s7  }
0xac: {  	[dreg:$0x4] =	wrdreg $0xC0  }
0xad: {  	_ =	task [dreg:s9], $0x5FFFF  }
0xae: {  	[dreg:$0x1] =	wrdreg $0xFFFFFFFF  }
0xaf: {  	[dreg:$0x0] =	wrdreg $0x60  }
0xb0: {  	[dreg:$0x2] =	wrdreg s2  }
0xb1: {  	[dreg:$0x3] =	wrdreg s18  }
0xb2: {  	[dreg:$0x4] =	wrdreg s24  }
0xb3: {  	[dreg:$0x5] =	wrdreg s4  }
0xb4: {  	[dreg:$0x6] =	wrdreg $0x9  }
0xb5: {  	_ =	task.clear_ibuf [dreg:s9], $0x7FFFF;
	_ =	strace $0x90000046  }
0xb6: {  	s29 =	simm.s32 $0x9;
	_ =	strace $0x80000048  }
0xb7: {  	_ =	swait.ge [sflag:s29], $0x1  }
0xb8: {  	[sflag:s29] =	ssyncadd.s32 $0xFFFFFFFF  }
0xb9: {  	_ =	strace $0x90000048  }
0xba: {  	_ =	sfence  }
0xbb: {  	s30 =	sld [smem:$0x0];
	_ =	sdelay $0x2  }
0xbc: {  	s31 =	sshll.u32 s1, $0xD;
	s1 =	sshrl.u32 s1, $0x2  }
0xbd: {  	s3 =	sand.u32 $0x4000, s31;
	s1 =	sadd.s32 s1, s30  }
0xbe: {  	s0 =	sor.u32 s3, s0;
	s1 =	sshll.u32 s1, $0x11  }
0xbf: {  	s0 =	sor.u32 s1, s0  }
0xc0: {  	s0 =	sadd.s32 $0x8F2B, s0  }
0xc1: {  	[sflag:s0] =	ssyncadd.remote.s32 $0x1  }
0xc2: {  	_ =	sfence.sel $0xFFFF  }
0xc3: {  	[dreg:$0x0] =	wrdreg $0xFFFFFFFF;
	(pc) =	sbr.abs _section_cstart, $3  }
0xc4: {  	[dreg:$0x1] =	wrdreg $0xFFFFFFFF  }
0xc5: {  	_ =	task.clear_ibuf [dreg:s9], $0x2FFFF;
	_ =	strace $0x9FFFFFFF  }
0xc6: {  	(tm) =	ssettm $0x7FFFFFFF  }
0xc7: {  	_ =	shalt  }
tec
execute0_lowered:
.L_overlay_start_1:
0x0: {  	(tag) =	ssettag $0x1  }
0x1: {  	s0 =	rddreg [dreg:$0x0]  }
0x2: {  	s2 =	rddreg [dreg:$0x1]  }
0x3: {  	s4 =	rddreg [dreg:$0x2]  }
0x4: {  	s7 =	rddreg [dreg:$0x3];
	s1 =	simm.s32 $0x0  }
0x5: {  	s3 =	srdreg.scid;
	s9 =	stileid.u32;
	s10 =	simm.s32 $0x200  }
0x6: {  	s11 =	simm.s32 $0x80;
	s13 =	simm.s32 $0x4400;
	s14 =	simm.s32 $0x1400  }
0x7: {  	s15 =	simm.s32 $0x280;
	s16 =	simm.s32 $0x5400;
	s17 =	simm.s32 $0x100  }
0x8: {  	s18 =	simm.s32 $0x2400;
	s19 =	simm.s32 $0x300;
	s20 =	simm.s32 $0x6400  }
0x9: {  	v0 =	vlaneseq.u32;
	s21 =	simm.s32 $0x180;
	s22 =	simm.s32 $0x3400;
	s23 =	simm.s32 $0x380  }
0xa: {  	s24 =	simm.s32 $0x7400;
	s25 =	simm.s32 $0x1;
	s26 =	simm.s32 $0x8600;
	v0 =	vmul.u32 $0x10, v0  }
0xb: {  	s28 =	simm.s32 $0x8400;
	s29 =	simm.s32 $0x0;
	[smem:$0x7FF] =	sst s1  }
0xc: {  	s5 =	sand.u32 $0x1, s3;
	s3 =	sadd.s32 $0xF42800, s4;
	s9 =	sshll.u32 s9, $0x7;
	v1 =	vor.u32 $0x1, v0;
	v2 =	vor.u32 $0x2, v0;
	v3 =	vor.u32 $0x3, v0  }
0xd: {  	s4 =	sadd.s32 $0x1313200, s4;
	s6 =	ssub.s32 $0x2, s5;
	s5 =	sshll.u32 s5, $0x6;
	v4 =	vor.u32 $0x4, v0;
	v5 =	vor.u32 $0x5, v0;
	v6 =	vor.u32 $0x6, v0  }
0xe: {  	_ =	strace $0x80000047;
	s8 =	sshrl.u32 s6, $0x1;
	s9 =	sor.u32 s5, s9;
	v7 =	vor.u32 $0x7, v0;
	v8 =	vor.u32 $0x8, v0;
	v9 =	vor.u32 $0x9, v0  }
0xf: {  	v10 =	vor.u32 $0xA, v0;
	v11 =	vor.u32 $0xB, v0;
	v12 =	vor.u32 $0xC, v0;
	s8 =	ssub.s32 s6, s8;
	s5 =	sadd.s32 s0, s9;
	s6 =	sadd.s32 s2, s9  }
0x10: {  	v13 =	vor.u32 $0xD, v0;
	v14 =	vor.u32 $0xE, v0;
	v15 =	vor.u32 $0xF, v0;
	s7 =	sadd.s32 s7, s9;
	s9 =	simm.s32 $0x2;
	s8 =	smax.u32 s8, $0x1  }
.LBB2_1:
0x11: {  	[tilespmem:s1], [sflag:$0x2] =	stream.linear.gather [hbm4b:s5+s1], $0x200, $0x38;
	[tilespmem:$0x8700] =	vst v63  }
0x12: {  	_ =	swait.ge [sflag:s9], $0x200  }
0x13: {  	[sflag:s9] =	ssyncset.done $0x0  }
0x14: {  	[sflag:s9] =	ssyncadd.s32 $0xFFFFFE00  }
0x15: {  	[tilespmem:s10], [sflag:$0x2] =	stream.linear.gather [hbm4b:s6+s1], $0x200, $0x38;
	[tilespmem:$0x8700] =	vst v63  }
0x16: {  	_ =	swait.ge [sflag:s9], $0x200  }
0x17: {  	[sflag:s9] =	ssyncset.done $0x0  }
0x18: {  	s0 =	simm.s32 $0x400;
	[sflag:s9] =	ssyncadd.s32 $0xFFFFFE00  }
0x19: {  	[tilespmem:s0], [sflag:$0x1] =	stream.indirect.gather [hbm4b:s3+s11], $0x20, s1, s11, $0xb8;
	[tilespmem:$0x8700] =	vst v63  }
0x1a: {  	_ = 	snop  }
0x1b: {  	[tilespmem:s13], [sflag:$0x1] =	stream.indirect.gather [hbm4b:s4+s11], $0x20, s10, s11, $0xb8;
	[tilespmem:$0x8700] =	vst v63  }
0x1c: {  	_ = 	snop  }
0x1d: {  	[tilespmem:s14], [sflag:$0x1] =	stream.indirect.gather [hbm4b:s3+s11], $0x20, s11, s11, $0xb8;
	[tilespmem:$0x8700] =	vst v63  }
0x1e: {  	_ = 	snop  }
0x1f: {  	[tilespmem:s16], [sflag:$0x1] =	stream.indirect.gather [hbm4b:s4+s11], $0x20, s15, s11, $0xb8;
	[tilespmem:$0x8700] =	vst v63  }
0x20: {  	_ = 	snop  }
0x21: {  	[tilespmem:s18], [sflag:$0x1] =	stream.indirect.gather [hbm4b:s3+s11], $0x20, s17, s11, $0xb8;
	[tilespmem:$0x8700] =	vst v63  }
0x22: {  	_ = 	snop  }
0x23: {  	[tilespmem:s20], [sflag:$0x1] =	stream.indirect.gather [hbm4b:s4+s11], $0x20, s19, s11, $0xb8;
	[tilespmem:$0x8700] =	vst v63  }
0x24: {  	_ = 	snop  }
0x25: {  	[tilespmem:s22], [sflag:$0x1] =	stream.indirect.gather [hbm4b:s3+s11], $0x20, s21, s11, $0xb8;
	[tilespmem:$0x8700] =	vst v63  }
0x26: {  	_ = 	snop  }
0x27: {  	[tilespmem:s24], [sflag:$0x1] =	stream.indirect.gather [hbm4b:s4+s11], $0x20, s23, s11, $0xb8;
	[tilespmem:$0x8700] =	vst v63  }
0x28: {  	_ =	swait.ge [sflag:s25], $0x1000  }
0x29: {  	[sflag:s25] =	ssyncset.done $0x0  }
0x2a: {  	[sflag:s25] =	ssyncadd.s32 $0xFFFFF000  }
0x2b: {  	_ =	swait.ge [sflag:s25], $0x1000  }
0x2c: {  	[sflag:s25] =	ssyncset.done $0x0  }
0x2d: {  	[sflag:s25] =	ssyncadd.s32 $0xFFFFF000  }
0x2e: {  	_ =	swait.ge [sflag:s25], $0x1000  }
0x2f: {  	[sflag:s25] =	ssyncset.done $0x0  }
0x30: {  	[sflag:s25] =	ssyncadd.s32 $0xFFFFF000  }
0x31: {  	_ =	swait.ge [sflag:s25], $0x1000  }
0x32: {  	[sflag:s25] =	ssyncset.done $0x0  }
0x33: {  	[sflag:s25] =	ssyncadd.s32 $0xFFFFF000  }
0x34: {  	_ =	swait.ge [sflag:s25], $0x1000  }
0x35: {  	[sflag:s25] =	ssyncset.done $0x0  }
0x36: {  	[sflag:s25] =	ssyncadd.s32 $0xFFFFF000  }
0x37: {  	_ =	swait.ge [sflag:s25], $0x1000  }
0x38: {  	[sflag:s25] =	ssyncset.done $0x0  }
0x39: {  	[sflag:s25] =	ssyncadd.s32 $0xFFFFF000  }
0x3a: {  	_ =	swait.ge [sflag:s25], $0x1000  }
0x3b: {  	[sflag:s25] =	ssyncset.done $0x0  }
0x3c: {  	[sflag:s25] =	ssyncadd.s32 $0xFFFFF000  }
0x3d: {  	_ =	swait.ge [sflag:s25], $0x1000  }
0x3e: {  	[sflag:s25] =	ssyncset.done $0x0  }
0x3f: {  	s30 =	simm.s32 $0x0;
	[sflag:s25] =	ssyncadd.s32 $0xFFFFF000  }
0x40: {  	v16 =	vld [tilespmem:s30+$0x4410]  }
0x41: {  	v17 =	vld [tilespmem:s30+$0x4400]  }
0x42: {  	v18 =	vld [tilespmem:s30+$0x400]  }
0x43: {  	v19 =	vld [tilespmem:s30+$0x410];
	_ =	sdelay $0x4  }
0x44: {  	v17 =	vmul.f32 v17, v18;
	v16 =	vmul.f32 v16, v19;
	_ =	sdelay $0x1  }
0x45: {  	v16 =	vadd.f32 v16, v17;
	_ =	sdelay $0x1  }
0x46: {  	[tilespmem:v0+s26+$0x0] =	vst.idx.msk $0xffff, v16  }
0x47: {  	v16 =	vld [tilespmem:s30+$0x420]  }
0x48: {  	v17 =	vld [tilespmem:s30+$0x430]  }
0x49: {  	v36 =	vld [tilespmem:s30+$0x4420]  }
0x4a: {  	v37 =	vld [tilespmem:s30+$0x4430];
	_ =	sdelay $0x4  }
0x4b: {  	v16 =	vmul.f32 v36, v16;
	v17 =	vmul.f32 v37, v17;
	_ =	sdelay $0x1  }
0x4c: {  	v16 =	vadd.f32 v17, v16;
	_ =	sdelay $0x1  }
0x4d: {  	[tilespmem:v1+s26+$0x0] =	vst.idx.msk $0xffff, v16  }
0x4e: {  	v16 =	vld [tilespmem:s30+$0x4440]  }
0x4f: {  	v17 =	vld [tilespmem:s30+$0x450]  }
0x50: {  	v38 =	vld [tilespmem:s30+$0x440]  }
0x51: {  	v39 =	vld [tilespmem:s30+$0x4450];
	_ =	sdelay $0x4  }
0x52: {  	v16 =	vmul.f32 v16, v38;
	v17 =	vmul.f32 v39, v17;
	_ =	sdelay $0x1  }
0x53: {  	v16 =	vadd.f32 v17, v16;
	_ =	sdelay $0x1  }
0x54: {  	[tilespmem:v2+s26+$0x0] =	vst.idx.msk $0xffff, v16  }
0x55: {  	v16 =	vld [tilespmem:s30+$0x4460]  }
0x56: {  	v17 =	vld [tilespmem:s30+$0x470]  }
0x57: {  	v40 =	vld [tilespmem:s30+$0x460]  }
0x58: {  	v41 =	vld [tilespmem:s30+$0x4470];
	_ =	sdelay $0x4  }
0x59: {  	v16 =	vmul.f32 v16, v40;
	v17 =	vmul.f32 v41, v17;
	_ =	sdelay $0x1  }
0x5a: {  	v16 =	vadd.f32 v17, v16;
	_ =	sdelay $0x1  }
0x5b: {  	[tilespmem:v3+s26+$0x0] =	vst.idx.msk $0xffff, v16  }
0x5c: {  	v16 =	vld [tilespmem:s30+$0x4480]  }
0x5d: {  	v17 =	vld [tilespmem:s30+$0x490]  }
0x5e: {  	v42 =	vld [tilespmem:s30+$0x480]  }
0x5f: {  	v43 =	vld [tilespmem:s30+$0x4490];
	_ =	sdelay $0x4  }
0x60: {  	v16 =	vmul.f32 v16, v42;
	v17 =	vmul.f32 v43, v17;
	_ =	sdelay $0x1  }
0x61: {  	v16 =	vadd.f32 v17, v16;
	_ =	sdelay $0x1  }
0x62: {  	[tilespmem:v4+s26+$0x0] =	vst.idx.msk $0xffff, v16  }
0x63: {  	v16 =	vld [tilespmem:s30+$0x44A0]  }
0x64: {  	v17 =	vld [tilespmem:s30+$0x4B0]  }
0x65: {  	v44 =	vld [tilespmem:s30+$0x4A0]  }
0x66: {  	v45 =	vld [tilespmem:s30+$0x44B0];
	_ =	sdelay $0x4  }
0x67: {  	v16 =	vmul.f32 v16, v44;
	v17 =	vmul.f32 v45, v17;
	_ =	sdelay $0x1  }
0x68: {  	v16 =	vadd.f32 v17, v16;
	_ =	sdelay $0x1  }
0x69: {  	[tilespmem:v5+s26+$0x0] =	vst.idx.msk $0xffff, v16  }
0x6a: {  	v16 =	vld [tilespmem:s30+$0x44D0]  }
0x6b: {  	v17 =	vld [tilespmem:s30+$0x44C0]  }
0x6c: {  	v46 =	vld [tilespmem:s30+$0x4D0]  }
0x6d: {  	v47 =	vld [tilespmem:s30+$0x4C0];
	_ =	sdelay $0x4  }
0x6e: {  	v16 =	vmul.f32 v16, v46;
	v17 =	vmul.f32 v17, v47;
	_ =	sdelay $0x1  }
0x6f: {  	v16 =	vadd.f32 v16, v17;
	_ =	sdelay $0x1  }
0x70: {  	[tilespmem:v6+s26+$0x0] =	vst.idx.msk $0xffff, v16  }
0x71: {  	v16 =	vld [tilespmem:s30+$0x44E0]  }
0x72: {  	v17 =	vld [tilespmem:s30+$0x4F0]  }
0x73: {  	v48 =	vld [tilespmem:s30+$0x4E0]  }
0x74: {  	v49 =	vld [tilespmem:s30+$0x44F0];
	_ =	sdelay $0x4  }
0x75: {  	v16 =	vmul.f32 v16, v48;
	v17 =	vmul.f32 v49, v17;
	_ =	sdelay $0x1  }
0x76: {  	v16 =	vadd.f32 v17, v16;
	_ =	sdelay $0x1  }
0x77: {  	[tilespmem:v7+s26+$0x0] =	vst.idx.msk $0xffff, v16  }
0x78: {  	v16 =	vld [tilespmem:s30+$0x4500]  }
0x79: {  	v17 =	vld [tilespmem:s30+$0x510]  }
0x7a: {  	v50 =	vld [tilespmem:s30+$0x500]  }
0x7b: {  	v51 =	vld [tilespmem:s30+$0x4510];
	_ =	sdelay $0x4  }
0x7c: {  	v16 =	vmul.f32 v16, v50;
	v17 =	vmul.f32 v51, v17;
	_ =	sdelay $0x1  }
0x7d: {  	v16 =	vadd.f32 v17, v16;
	_ =	sdelay $0x1  }
0x7e: {  	[tilespmem:v8+s26+$0x0] =	vst.idx.msk $0xffff, v16  }
0x7f: {  	v16 =	vld [tilespmem:s30+$0x4530]  }
0x80: {  	v17 =	vld [tilespmem:s30+$0x530]  }
0x81: {  	v52 =	vld [tilespmem:s30+$0x520]  }
0x82: {  	v53 =	vld [tilespmem:s30+$0x4520];
	_ =	sdelay $0x4  }
0x83: {  	v16 =	vmul.f32 v16, v17;
	v17 =	vmul.f32 v53, v52;
	_ =	sdelay $0x1  }
0x84: {  	v16 =	vadd.f32 v16, v17;
	_ =	sdelay $0x1  }
0x85: {  	[tilespmem:v9+s26+$0x0] =	vst.idx.msk $0xffff, v16  }
0x86: {  	v16 =	vld [tilespmem:s30+$0x4540]  }
0x87: {  	v17 =	vld [tilespmem:s30+$0x550]  }
0x88: {  	v54 =	vld [tilespmem:s30+$0x540]  }
0x89: {  	v55 =	vld [tilespmem:s30+$0x4550];
	_ =	sdelay $0x4  }
0x8a: {  	v16 =	vmul.f32 v16, v54;
	v17 =	vmul.f32 v55, v17;
	_ =	sdelay $0x1  }
0x8b: {  	v16 =	vadd.f32 v17, v16;
	_ =	sdelay $0x1  }
0x8c: {  	[tilespmem:v10+s26+$0x0] =	vst.idx.msk $0xffff, v16  }
0x8d: {  	v16 =	vld [tilespmem:s30+$0x4560]  }
0x8e: {  	v17 =	vld [tilespmem:s30+$0x570]  }
0x8f: {  	v56 =	vld [tilespmem:s30+$0x560]  }
0x90: {  	v57 =	vld [tilespmem:s30+$0x4570];
	_ =	sdelay $0x4  }
0x91: {  	v16 =	vmul.f32 v16, v56;
	v17 =	vmul.f32 v57, v17;
	_ =	sdelay $0x1  }
0x92: {  	v16 =	vadd.f32 v17, v16;
	_ =	sdelay $0x1  }
0x93: {  	[tilespmem:v11+s26+$0x0] =	vst.idx.msk $0xffff, v16  }
0x94: {  	v16 =	vld [tilespmem:s30+$0x4590]  }
0x95: {  	v17 =	vld [tilespmem:s30+$0x4580]  }
0x96: {  	v58 =	vld [tilespmem:s30+$0x590]  }
0x97: {  	v59 =	vld [tilespmem:s30+$0x580];
	_ =	sdelay $0x4  }
0x98: {  	v16 =	vmul.f32 v16, v58;
	v17 =	vmul.f32 v17, v59;
	_ =	sdelay $0x1  }
0x99: {  	v16 =	vadd.f32 v16, v17;
	_ =	sdelay $0x1  }
0x9a: {  	[tilespmem:v12+s26+$0x0] =	vst.idx.msk $0xffff, v16  }
0x9b: {  	v16 =	vld [tilespmem:s30+$0x45B0]  }
0x9c: {  	v17 =	vld [tilespmem:s30+$0x5B0]  }
0x9d: {  	v60 =	vld [tilespmem:s30+$0x5A0]  }
0x9e: {  	v61 =	vld [tilespmem:s30+$0x45A0];
	_ =	sdelay $0x4  }
0x9f: {  	v16 =	vmul.f32 v16, v17;
	v17 =	vmul.f32 v61, v60;
	_ =	sdelay $0x1  }
0xa0: {  	v16 =	vadd.f32 v16, v17;
	_ =	sdelay $0x1  }
0xa1: {  	[tilespmem:v13+s26+$0x0] =	vst.idx.msk $0xffff, v16  }
0xa2: {  	v16 =	vld [tilespmem:s30+$0x45C0]  }
0xa3: {  	v17 =	vld [tilespmem:s30+$0x5D0]  }
0xa4: {  	v62 =	vld [tilespmem:s30+$0x5C0]  }
0xa5: {  	v63 =	vld [tilespmem:s30+$0x45D0];
	_ =	sdelay $0x4  }
0xa6: {  	v16 =	vmul.f32 v16, v62;
	v17 =	vmul.f32 v63, v17;
	_ =	sdelay $0x1  }
0xa7: {  	v16 =	vadd.f32 v17, v16;
	_ =	sdelay $0x1  }
0xa8: {  	s2 =	simm.s32 $0x8400;
	s31 =	simm.s32 $0x8400;
	s0 =	simm.s32 $0x800;
	[tilespmem:v14+s26+$0x0] =	vst.idx.msk $0xffff, v16  }
.LBB2_2:
0xa9: {  	p0 =	sne.s32 s0, $0xF800  }
0xaa: {  	v16 =	vld [tilespmem:s30+$0x45F0];
	s2 =	sadd.s32 $0x10, s2;
	s12 =	smov.u32 s0;
	s0 =	sadd.s32 $0x800, s0  }
0xab: {  	v17 =	vld [tilespmem:s30+$0x45E0]  }
0xac: {  	v18 =	vld [tilespmem:s30+$0x5E0]  }
0xad: {  	v19 =	vld [tilespmem:s30+$0x5F0];
	_ =	sdelay $0x3  }
0xae: {  	v17 =	vmul.f32 v17, v18  }
0xaf: {  	v16 =	vmul.f32 v16, v19;
	_ =	sdelay $0x1  }
0xb0: {  	v16 =	vadd.f32 v16, v17;
	_ =	sdelay $0x1  }
0xb1: {  	[tilespmem:v15+s26+$0x0] =	vst.idx.msk $0xffff, v16  }
0xb2: {  	v16 =	vld [tilespmem:$0x8600]  }
0xb3: {  	v17 =	vld [tilespmem:$0x8610]  }
0xb4: {  	v18 =	vld [tilespmem:$0x8620]  }
0xb5: {  	v19 =	vld [tilespmem:$0x8630]  }
0xb6: {  	v20 =	vld [tilespmem:$0x8640]  }
0xb7: {  	v21 =	vld [tilespmem:$0x8650]  }
0xb8: {  	v16 =	vadd.f32 v17, v16;
	v17 =	vld [tilespmem:$0x8660]  }
0xb9: {  	v22 =	vld [tilespmem:$0x8670]  }
0xba: {  	v16 =	vadd.f32 v18, v16;
	v18 =	vld [tilespmem:$0x8680]  }
0xbb: {  	v23 =	vld [tilespmem:$0x8690]  }
0xbc: {  	v16 =	vadd.f32 v19, v16;
	v19 =	vld [tilespmem:$0x86A0]  }
0xbd: {  	v24 =	vld [tilespmem:$0x86B0]  }
0xbe: {  	v16 =	vadd.f32 v20, v16;
	v20 =	vld [tilespmem:$0x86C0]  }
0xbf: {  	v25 =	vld [tilespmem:$0x86D0]  }
0xc0: {  	v16 =	vadd.f32 v21, v16;
	v21 =	vld [tilespmem:$0x86E0]  }
0xc1: {  	v26 =	vld [tilespmem:$0x86F0]  }
0xc2: {  	v16 =	vadd.f32 v17, v16;
	_ =	sdelay $0x1  }
0xc3: {  	v16 =	vadd.f32 v22, v16;
	_ =	sdelay $0x1  }
0xc4: {  	v16 =	vadd.f32 v18, v16;
	_ =	sdelay $0x1  }
0xc5: {  	v16 =	vadd.f32 v23, v16;
	_ =	sdelay $0x1  }
0xc6: {  	v16 =	vadd.f32 v19, v16;
	_ =	sdelay $0x1  }
0xc7: {  	v16 =	vadd.f32 v24, v16;
	_ =	sdelay $0x1  }
0xc8: {  	v16 =	vadd.f32 v20, v16;
	_ =	sdelay $0x1  }
0xc9: {  	v16 =	vadd.f32 v25, v16;
	_ =	sdelay $0x1  }
0xca: {  	v16 =	vadd.f32 v21, v16;
	_ =	sdelay $0x1  }
0xcb: {  	v16 =	vadd.f32 v26, v16;
	_ =	sdelay $0x1  }
0xcc: {  	s30 =	sshra.s32 s12, $0x2;
	[tilespmem:s31+$0x0] =	vst v16;
	s31 =	smov.u32 s2  }
0xcd: {  	v16 =	vld [tilespmem:s30+$0x4410]  }
0xce: {  	v17 =	vld [tilespmem:s30+$0x4400]  }
0xcf: {  	v18 =	vld [tilespmem:s30+$0x400]  }
0xd0: {  	v19 =	vld [tilespmem:s30+$0x410];
	_ =	sdelay $0x3  }
0xd1: {  	v17 =	vmul.f32 v17, v18  }
0xd2: {  	v16 =	vmul.f32 v16, v19;
	_ =	sdelay $0x1  }
0xd3: {  	v16 =	vadd.f32 v16, v17;
	_ =	sdelay $0x1  }
0xd4: {  	[tilespmem:v0+s26+$0x0] =	vst.idx.msk $0xffff, v16  }
0xd5: {  	v16 =	vld [tilespmem:s30+$0x420]  }
0xd6: {  	v17 =	vld [tilespmem:s30+$0x430]  }
0xd7: {  	v18 =	vld [tilespmem:s30+$0x4420]  }
0xd8: {  	v19 =	vld [tilespmem:s30+$0x4430];
	_ =	sdelay $0x3  }
0xd9: {  	v16 =	vmul.f32 v18, v16  }
0xda: {  	v17 =	vmul.f32 v19, v17;
	_ =	sdelay $0x1  }
0xdb: {  	v16 =	vadd.f32 v17, v16;
	_ =	sdelay $0x1  }
0xdc: {  	[tilespmem:v1+s26+$0x0] =	vst.idx.msk $0xffff, v16  }
0xdd: {  	v16 =	vld [tilespmem:s30+$0x4440]  }
0xde: {  	v17 =	vld [tilespmem:s30+$0x450]  }
0xdf: {  	v18 =	vld [tilespmem:s30+$0x440]  }
0xe0: {  	v19 =	vld [tilespmem:s30+$0x4450];
	_ =	sdelay $0x3  }
0xe1: {  	v16 =	vmul.f32 v16, v18  }
0xe2: {  	v17 =	vmul.f32 v19, v17;
	_ =	sdelay $0x1  }
0xe3: {  	v16 =	vadd.f32 v17, v16;
	_ =	sdelay $0x1  }
0xe4: {  	[tilespmem:v2+s26+$0x0] =	vst.idx.msk $0xffff, v16  }
0xe5: {  	v16 =	vld [tilespmem:s30+$0x4460]  }
0xe6: {  	v17 =	vld [tilespmem:s30+$0x470]  }
0xe7: {  	v18 =	vld [tilespmem:s30+$0x460]  }
0xe8: {  	v19 =	vld [tilespmem:s30+$0x4470];
	_ =	sdelay $0x3  }
0xe9: {  	v16 =	vmul.f32 v16, v18  }
0xea: {  	v17 =	vmul.f32 v19, v17;
	_ =	sdelay $0x1  }
0xeb: {  	v16 =	vadd.f32 v17, v16;
	_ =	sdelay $0x1  }
0xec: {  	[tilespmem:v3+s26+$0x0] =	vst.idx.msk $0xffff, v16  }
0xed: {  	v16 =	vld [tilespmem:s30+$0x4480]  }
0xee: {  	v17 =	vld [tilespmem:s30+$0x490]  }
0xef: {  	v18 =	vld [tilespmem:s30+$0x480]  }
0xf0: {  	v19 =	vld [tilespmem:s30+$0x4490];
	_ =	sdelay $0x3  }
0xf1: {  	v16 =	vmul.f32 v16, v18  }
0xf2: {  	v17 =	vmul.f32 v19, v17;
	_ =	sdelay $0x1  }
0xf3: {  	v16 =	vadd.f32 v17, v16;
	_ =	sdelay $0x1  }
0xf4: {  	[tilespmem:v4+s26+$0x0] =	vst.idx.msk $0xffff, v16  }
0xf5: {  	v16 =	vld [tilespmem:s30+$0x44A0]  }
0xf6: {  	v17 =	vld [tilespmem:s30+$0x4B0]  }
0xf7: {  	v18 =	vld [tilespmem:s30+$0x4A0]  }
0xf8: {  	v19 =	vld [tilespmem:s30+$0x44B0];
	_ =	sdelay $0x3  }
0xf9: {  	v16 =	vmul.f32 v16, v18  }
0xfa: {  	v17 =	vmul.f32 v19, v17;
	_ =	sdelay $0x1  }
0xfb: {  	v16 =	vadd.f32 v17, v16;
	_ =	sdelay $0x1  }
0xfc: {  	[tilespmem:v5+s26+$0x0] =	vst.idx.msk $0xffff, v16  }
0xfd: {  	v16 =	vld [tilespmem:s30+$0x44D0]  }
0xfe: {  	v17 =	vld [tilespmem:s30+$0x44C0]  }
0xff: {  	v18 =	vld [tilespmem:s30+$0x4D0]  }
0x100: {  	v19 =	vld [tilespmem:s30+$0x4C0];
	_ =	sdelay $0x3  }
0x101: {  	v16 =	vmul.f32 v16, v18  }
0x102: {  	v17 =	vmul.f32 v17, v19;
	_ =	sdelay $0x1  }
0x103: {  	v16 =	vadd.f32 v16, v17;
	_ =	sdelay $0x1  }
0x104: {  	[tilespmem:v6+s26+$0x0] =	vst.idx.msk $0xffff, v16  }
0x105: {  	v16 =	vld [tilespmem:s30+$0x44E0]  }
0x106: {  	v17 =	vld [tilespmem:s30+$0x4F0]  }
0x107: {  	v18 =	vld [tilespmem:s30+$0x4E0]  }
0x108: {  	v19 =	vld [tilespmem:s30+$0x44F0];
	_ =	sdelay $0x3  }
0x109: {  	v16 =	vmul.f32 v16, v18  }
0x10a: {  	v17 =	vmul.f32 v19, v17;
	_ =	sdelay $0x1  }
0x10b: {  	v16 =	vadd.f32 v17, v16;
	_ =	sdelay $0x1  }
0x10c: {  	[tilespmem:v7+s26+$0x0] =	vst.idx.msk $0xffff, v16  }
0x10d: {  	v16 =	vld [tilespmem:s30+$0x4500]  }
0x10e: {  	v17 =	vld [tilespmem:s30+$0x510]  }
0x10f: {  	v18 =	vld [tilespmem:s30+$0x500]  }
0x110: {  	v19 =	vld [tilespmem:s30+$0x4510];
	_ =	sdelay $0x3  }
0x111: {  	v16 =	vmul.f32 v16, v18  }
0x112: {  	v17 =	vmul.f32 v19, v17;
	_ =	sdelay $0x1  }
0x113: {  	v16 =	vadd.f32 v17, v16;
	_ =	sdelay $0x1  }
0x114: {  	[tilespmem:v8+s26+$0x0] =	vst.idx.msk $0xffff, v16  }
0x115: {  	v16 =	vld [tilespmem:s30+$0x4530]  }
0x116: {  	v17 =	vld [tilespmem:s30+$0x530]  }
0x117: {  	v18 =	vld [tilespmem:s30+$0x520]  }
0x118: {  	v19 =	vld [tilespmem:s30+$0x4520];
	_ =	sdelay $0x2  }
0x119: {  	v16 =	vmul.f32 v16, v17;
	_ =	sdelay $0x1  }
0x11a: {  	v17 =	vmul.f32 v19, v18;
	_ =	sdelay $0x1  }
0x11b: {  	v16 =	vadd.f32 v16, v17;
	_ =	sdelay $0x1  }
0x11c: {  	[tilespmem:v9+s26+$0x0] =	vst.idx.msk $0xffff, v16  }
0x11d: {  	v16 =	vld [tilespmem:s30+$0x4540]  }
0x11e: {  	v17 =	vld [tilespmem:s30+$0x550]  }
0x11f: {  	v18 =	vld [tilespmem:s30+$0x540]  }
0x120: {  	v19 =	vld [tilespmem:s30+$0x4550];
	_ =	sdelay $0x3  }
0x121: {  	v16 =	vmul.f32 v16, v18  }
0x122: {  	v17 =	vmul.f32 v19, v17;
	_ =	sdelay $0x1  }
0x123: {  	v16 =	vadd.f32 v17, v16;
	_ =	sdelay $0x1  }
0x124: {  	[tilespmem:v10+s26+$0x0] =	vst.idx.msk $0xffff, v16  }
0x125: {  	v16 =	vld [tilespmem:s30+$0x4560]  }
0x126: {  	v17 =	vld [tilespmem:s30+$0x570]  }
0x127: {  	v18 =	vld [tilespmem:s30+$0x560]  }
0x128: {  	v19 =	vld [tilespmem:s30+$0x4570];
	_ =	sdelay $0x3  }
0x129: {  	v16 =	vmul.f32 v16, v18  }
0x12a: {  	v17 =	vmul.f32 v19, v17;
	_ =	sdelay $0x1  }
0x12b: {  	v16 =	vadd.f32 v17, v16;
	_ =	sdelay $0x1  }
0x12c: {  	[tilespmem:v11+s26+$0x0] =	vst.idx.msk $0xffff, v16  }
0x12d: {  	v16 =	vld [tilespmem:s30+$0x4590]  }
0x12e: {  	v17 =	vld [tilespmem:s30+$0x4580]  }
0x12f: {  	v18 =	vld [tilespmem:s30+$0x590]  }
0x130: {  	v19 =	vld [tilespmem:s30+$0x580];
	_ =	sdelay $0x3  }
0x131: {  	v16 =	vmul.f32 v16, v18  }
0x132: {  	v17 =	vmul.f32 v17, v19;
	_ =	sdelay $0x1  }
0x133: {  	v16 =	vadd.f32 v16, v17;
	_ =	sdelay $0x1  }
0x134: {  	[tilespmem:v12+s26+$0x0] =	vst.idx.msk $0xffff, v16  }
0x135: {  	v16 =	vld [tilespmem:s30+$0x45B0]  }
0x136: {  	v17 =	vld [tilespmem:s30+$0x5B0]  }
0x137: {  	v18 =	vld [tilespmem:s30+$0x5A0]  }
0x138: {  	v19 =	vld [tilespmem:s30+$0x45A0];
	_ =	sdelay $0x2  }
0x139: {  	v16 =	vmul.f32 v16, v17;
	_ =	sdelay $0x1  }
0x13a: {  	v17 =	vmul.f32 v19, v18;
	_ =	sdelay $0x1  }
0x13b: {  	v16 =	vadd.f32 v16, v17;
	_ =	sdelay $0x1  }
0x13c: {  	[tilespmem:v13+s26+$0x0] =	vst.idx.msk $0xffff, v16  }
0x13d: {  	v16 =	vld [tilespmem:s30+$0x45C0]  }
0x13e: {  	v17 =	vld [tilespmem:s30+$0x5D0]  }
0x13f: {  	v18 =	vld [tilespmem:s30+$0x5C0]  }
0x140: {  	v19 =	vld [tilespmem:s30+$0x45D0];
	_ =	sdelay $0x3  }
0x141: {  	v16 =	vmul.f32 v16, v18  }
.Ltmp0:
0x142: {  	v17 =	vmul.f32 v19, v17;
	(pc) =	sbr.rel @p0 .LBB2_2-.Ltmp0, $3  }
0x143: {  	_ = 	snop  }
0x144: {  	v16 =	vadd.f32 v17, v16;
	_ =	sdelay $0x1  }
0x145: {  	[tilespmem:v14+s26+$0x0] =	vst.idx.msk $0xffff, v16  }
0x146: {  	v16 =	vld [tilespmem:s30+$0x45F0]  }
0x147: {  	v17 =	vld [tilespmem:s30+$0x45E0]  }
0x148: {  	v18 =	vld [tilespmem:s30+$0x5E0]  }
0x149: {  	v19 =	vld [tilespmem:s30+$0x5F0];
	_ =	sdelay $0x4  }
0x14a: {  	v17 =	vmul.f32 v17, v18;
	v16 =	vmul.f32 v16, v19;
	_ =	sdelay $0x1  }
0x14b: {  	v16 =	vadd.f32 v16, v17;
	_ =	sdelay $0x1  }
0x14c: {  	[tilespmem:v15+s26+$0x0] =	vst.idx.msk $0xffff, v16  }
0x14d: {  	v16 =	vld [tilespmem:$0x8600]  }
0x14e: {  	v17 =	vld [tilespmem:$0x8610];
	_ =	sdelay $0x1  }
0x14f: {  	v54 =	vld [tilespmem:$0x8620];
	_ =	sdelay $0x1  }
0x150: {  	v55 =	vld [tilespmem:$0x8630]  }
0x151: {  	v16 =	vadd.f32 v17, v16  }
0x152: {  	v17 =	vld [tilespmem:$0x8640]  }
0x153: {  	v16 =	vadd.f32 v54, v16  }
0x154: {  	v56 =	vld [tilespmem:$0x8650]  }
0x155: {  	v16 =	vadd.f32 v55, v16  }
0x156: {  	v57 =	vld [tilespmem:$0x8660]  }
0x157: {  	v16 =	vadd.f32 v17, v16  }
0x158: {  	v17 =	vld [tilespmem:$0x8670]  }
0x159: {  	v16 =	vadd.f32 v56, v16  }
0x15a: {  	v58 =	vld [tilespmem:$0x8680]  }
0x15b: {  	v16 =	vadd.f32 v57, v16  }
0x15c: {  	v59 =	vld [tilespmem:$0x8690]  }
0x15d: {  	v16 =	vadd.f32 v17, v16  }
0x15e: {  	v17 =	vld [tilespmem:$0x86A0]  }
0x15f: {  	v16 =	vadd.f32 v58, v16  }
0x160: {  	v60 =	vld [tilespmem:$0x86B0]  }
0x161: {  	v16 =	vadd.f32 v59, v16  }
0x162: {  	v61 =	vld [tilespmem:$0x86C0]  }
0x163: {  	v16 =	vadd.f32 v17, v16  }
0x164: {  	v17 =	vld [tilespmem:$0x86D0]  }
0x165: {  	v16 =	vadd.f32 v60, v16  }
0x166: {  	v62 =	vld [tilespmem:$0x86E0]  }
0x167: {  	v16 =	vadd.f32 v61, v16  }
0x168: {  	v63 =	vld [tilespmem:$0x86F0]  }
0x169: {  	v16 =	vadd.f32 v17, v16;
	_ =	sdelay $0x1  }
0x16a: {  	v16 =	vadd.f32 v62, v16;
	_ =	sdelay $0x1  }
0x16b: {  	s29 =	sadd.s32 $0x1, s29;
	v16 =	vadd.f32 v63, v16  }
0x16c: {  	p0 =	sne.s32 s29, s8  }
.Ltmp1:
0x16d: {  	[tilespmem:s31+$0x0] =	vst v16;
	(pc) =	sbr.rel @p0 .LBB2_1-.Ltmp1, $4  }
0x16e: {  	[hbm4b:s7+s1] =	stream.linear.scatter [tilespmem:s28], [sflag:$0x2], $0x200, $0x38;
	[tilespmem:$0x8700] =	vst v63  }
0x16f: {  	_ =	swait.ge [sflag:s9], $0x200  }
0x170: {  	[sflag:s9] =	ssyncset.done $0x0  }
0x171: {  	[sflag:s9] =	ssyncadd.s32 $0xFFFFFE00  }
0x172: {  	_ =	sfence.sel $0x180000  }
0x173: {  	[bflag:$0x0] =	sbarrier.arrive $0xFFFF  }
0x174: {  	_ =	strace $0x90000047  }
0x175: {  	s0 =	stileid.u32;
	[bflag:$0x2] =	sbarrier.arrive $0xFFFF  }
0x176: {  	p0 =	sne.s32 s0, $0x0;
	s0 =	rddreg [dreg:$0x4]  }
0x177: {  	s0 =	sadd.s32 @!p0 $0x100000, s0  }
0x178: {  	[sflag:s0] =	ssyncadd.tile.s32 @!p0 $0x1;
	_ =	shalt  }
.Lfunc_end2:
_tile_overlayer_lowered:
.L_overlay_start_2:
0x179: {  	(tag) =	ssettag $0x2  }
0x17a: {  	s0 =	rddreg [dreg:$0x0];
	s2 =	stileid.u32  }
0x17b: {  	s1 =	rddreg [dreg:$0x1];
	p0 =	sne.s32 s2, $0x0  }
0x17c: {  	s3 =	rddreg [dreg:$0x2];
	[bflag:$0x3] =	sbarrier.arrive $0xFFFF;
	s2 =	simm.s32 @!p0 $0x1C02  }
0x17d: {  	[timem:s3], [sflag:s2] =	dma.local @!p0 [hbm:s0], s1  }
0x17e: {  	s0 =	simm.s32 @!p0 $0x2  }
0x17f: {  	_ =	swait.ge @!p0 [sflag:s0], s1  }
0x180: {  	s1 =	ssub.s32 @!p0 $0x0, s1;
	[sflag:s0] =	ssyncset.done @!p0 $0x0  }
0x181: {  	[sflag:s0] =	ssyncadd.s32 @!p0 s1  }
0x182: {  	[bflag:$0x3] =	sbarrier.arrive $0xFFFF  }
0x183: {  	_ =	shalt  }

</sc_bundles>
